<compile_context>
chip_gen: v7x
topology: tpu7x:2x2x1
jax: 0.10.2.dev20260603
libtpu: 0.0.44.dev20260713+nightly
codegen_flags: <defaults>
</compile_context>

<pallas_src>
import functools

import jax
import jax.numpy as jnp
from jax import lax
from jax.experimental import pallas as pl
from jax.experimental.pallas import tpu as pltpu
from jax.experimental.pallas import tpu_sc as plsc

D_HID = 128
N_POS = 365
CHUNK = 64
NBUF = 8


@functools.partial(jax.jit, static_argnames=("batch", "seq"))
def _gather_rows(idx_flat, table, batch, seq):
    info = plsc.get_sparse_core_info()
    nc, ns = info.num_cores, info.num_subcores
    nw = nc * ns
    b_total = batch * seq
    b_per_w = b_total // nw
    n_chunks = b_per_w // CHUNK
    mesh = plsc.VectorSubcoreMesh(core_axis_name="c", subcore_axis_name="s")

    @functools.partial(
        pl.kernel,
        mesh=mesh,
        out_type=jax.ShapeDtypeStruct((b_total, D_HID), jnp.float32),
        scratch_types=(
            [pltpu.VMEM((b_per_w,), jnp.int32)]
            + [pltpu.VMEM((CHUNK, D_HID), jnp.float32) for _ in range(NBUF)]
            + [pltpu.VMEM_SHARED((N_POS, D_HID), jnp.float32)]
            + [pltpu.SemaphoreType.DMA for _ in range(2 * NBUF)]
        ),
    )
    def sc_kernel(idx_hbm, table_hbm, out_hbm, idx_v, *rest):
        rows = rest[:NBUF]
        table_sp = rest[NBUF]
        gsems = rest[NBUF + 1:2 * NBUF + 1]
        ssems = rest[2 * NBUF + 1:]

        wid = lax.axis_index("s") * nc + lax.axis_index("c")
        base = wid * b_per_w

        @pl.when(lax.axis_index("s") == 0)
        def _():
            pltpu.sync_copy(table_hbm, table_sp)

        plsc.subcore_barrier()
        pltpu.sync_copy(idx_hbm.at[pl.ds(base, b_per_w)], idx_v)

        def gather(c, b):
            off = pl.multiple_of(c * CHUNK, 8)
            pltpu.async_copy(
                table_sp.at[idx_v.at[pl.ds(off, CHUNK)]], rows[b], gsems[b]
            )

        def wait_gather(b):
            pltpu.make_async_copy(
                out_hbm.at[pl.ds(0, CHUNK)], rows[b], gsems[b]
            ).wait()

        def scatter(c, b):
            off = pl.multiple_of(base + c * CHUNK, 8)
            pltpu.async_copy(rows[b], out_hbm.at[pl.ds(off, CHUNK)], ssems[b])

        def wait_scatter(b):
            pltpu.make_async_copy(
                rows[b], out_hbm.at[pl.ds(0, CHUNK)], ssems[b]
            ).wait()

        AHEAD = 6
        for b in range(AHEAD):
            gather(b, b)

        def body(i, carry):
            for b in range(NBUF):
                c = NBUF * i + b
                wait_gather(b)

                nb = (b + AHEAD) % NBUF

                @pl.when(c + AHEAD < n_chunks)
                def _():
                    @pl.when(c >= NBUF - AHEAD)
                    def _():
                        wait_scatter(nb)

                    gather(c + AHEAD, nb)

                scatter(c, b)
            return carry

        lax.fori_loop(0, n_chunks // NBUF, body, 0)

        for b in range(NBUF):
            wait_scatter(b)

    return sc_kernel(idx_flat, table)


def kernel(doys, pos_table):
    batch, seq = doys.shape
    idx_flat = doys.astype(jnp.int32).reshape(batch * seq)
    out = _gather_rows(idx_flat, pos_table, batch, seq)
    return out.reshape(batch, seq, D_HID)

# --- scband reference (transcript-rebuilt; emitter-appended) ---
"""Pipeline reference for scband-positional-encoding-16853451669776 (READ-ONLY COPY).

The authoritative reference and input builder live on the scoring server;
editing this copy changes nothing except your own understanding.
"""

import jax, jax.numpy as jnp
import numpy as np

D_HID = 128
N_POSITION = 365
BATCH = 4096
SEQ = 200


def _sinusoid_table(n_position, d_hid):
    pos = np.arange(n_position, dtype=np.float64)[:, None]
    hid = np.arange(d_hid)[None, :]
    angle = pos / np.power(1000.0, 2 * (hid // 2) / d_hid)
    table = angle.copy()
    table[:, 0::2] = np.sin(angle[:, 0::2])
    table[:, 1::2] = np.cos(angle[:, 1::2])
    return jnp.asarray(table, dtype=jnp.float32)


def setup_inputs(seed: int = 0) -> dict:
    key = jax.random.key(seed)
    doys = jax.random.randint(key, (BATCH, SEQ), 0, N_POSITION, dtype=jnp.int32)
    pos_table = _sinusoid_table(N_POSITION, D_HID)
    return {"doys": doys, "pos_table": pos_table}


def reference(doys, pos_table):
    # Torch: pos_table [1, N, d] repeated to [B, N, d]; gather along dim=1 with
    # index doys broadcast to [B, L, d]. Equivalent to a row-gather of the shared
    # table per (batch, position) index.
    doys = doys.astype(jnp.int32)
    positional_embedding = jnp.take(pos_table, doys, axis=0)  # [B, L, d_hid]
    return positional_embedding

if __name__ == "__main__":
    import jax
    _d = setup_inputs()
    print(jax.jit(kernel)(*tuple(_d.values())))

</pallas_src>

<mosaic_0001>
#map = affine_map<(d0, d1) -> (0)>
#map1 = affine_map<(d0, d1) -> (0, 0)>
module attributes {stable_mosaic.version = 14 : i64} {
  func.func @sc_kernel(%arg0: i32, %arg1: i32, %arg2: memref<819200xi32, #tpu.memory_space<hbm>>, %arg3: memref<365x128xf32, #tpu.memory_space<hbm>>, %arg4: memref<819200x128xf32, #tpu.memory_space<hbm>>, %arg5: memref<25600xi32, #tpu.memory_space<vmem>>, %arg6: memref<64x128xf32, #tpu.memory_space<vmem>>, %arg7: memref<64x128xf32, #tpu.memory_space<vmem>>, %arg8: memref<64x128xf32, #tpu.memory_space<vmem>>, %arg9: memref<64x128xf32, #tpu.memory_space<vmem>>, %arg10: memref<64x128xf32, #tpu.memory_space<vmem>>, %arg11: memref<64x128xf32, #tpu.memory_space<vmem>>, %arg12: memref<64x128xf32, #tpu.memory_space<vmem>>, %arg13: memref<64x128xf32, #tpu.memory_space<vmem>>, %arg14: memref<365x128xf32, #tpu.memory_space<vmem_shared>>, %arg15: memref<!tpu.dma_semaphore, #tpu.memory_space<semaphore_mem>>, %arg16: memref<!tpu.dma_semaphore, #tpu.memory_space<semaphore_mem>>, %arg17: memref<!tpu.dma_semaphore, #tpu.memory_space<semaphore_mem>>, %arg18: memref<!tpu.dma_semaphore, #tpu.memory_space<semaphore_mem>>, %arg19: memref<!tpu.dma_semaphore, #tpu.memory_space<semaphore_mem>>, %arg20: memref<!tpu.dma_semaphore, #tpu.memory_space<semaphore_mem>>, %arg21: memref<!tpu.dma_semaphore, #tpu.memory_space<semaphore_mem>>, %arg22: memref<!tpu.dma_semaphore, #tpu.memory_space<semaphore_mem>>, %arg23: memref<!tpu.dma_semaphore, #tpu.memory_space<semaphore_mem>>, %arg24: memref<!tpu.dma_semaphore, #tpu.memory_space<semaphore_mem>>, %arg25: memref<!tpu.dma_semaphore, #tpu.memory_space<semaphore_mem>>, %arg26: memref<!tpu.dma_semaphore, #tpu.memory_space<semaphore_mem>>, %arg27: memref<!tpu.dma_semaphore, #tpu.memory_space<semaphore_mem>>, %arg28: memref<!tpu.dma_semaphore, #tpu.memory_space<semaphore_mem>>, %arg29: memref<!tpu.dma_semaphore, #tpu.memory_space<semaphore_mem>>, %arg30: memref<!tpu.dma_semaphore, #tpu.memory_space<semaphore_mem>>) attributes {dimension_semantics = [#tpu.dimension_semantics<core_parallel>, #tpu.dimension_semantics<subcore_parallel>], iteration_bounds = array<i64: 2, 16>, scalar_prefetch = 0 : i64, scratch_operands = 26 : i64, tpu.core_type = #tpu.core_type<sc_vector_subcore>, window_params = [{transform_indices = #map}, {transform_indices = #map1}, {transform_indices = #map1}]} {
    %mul3A = arith.constant 2 : i32
    %mul3A_0 = arith.muli %arg1, %mul3A : i32
    %add3A = arith.addi %mul3A_0, %arg0 : i32
    %mul3A_1 = arith.constant 25600 : i32
    %mul3A_2 = arith.muli %add3A, %mul3A_1 : i32
    %eq3A = arith.constant 0 : i32
    %eq3A_3 = arith.cmpi eq, %arg1, %eq3A : i32
    %convert_element_type3A = arith.extui %eq3A_3 : i1 to i32
    %cond3A = arith.constant 0 : i32
    %cond3A_4 = arith.cmpi ne, %convert_element_type3A, %cond3A : i32
    scf.if %cond3A_4 {
      "tpu.region"() ({
        %run_scoped3A = tpu.sem_alloc : memref<!tpu.dma_semaphore, #tpu.memory_space<semaphore_mem>>
        tpu.enqueue_dma source(%arg3 : memref<365x128xf32, #tpu.memory_space<hbm>>) target(%arg14 : memref<365x128xf32, #tpu.memory_space<vmem_shared>>) target_semaphore(%run_scoped3A : memref<!tpu.dma_semaphore, #tpu.memory_space<semaphore_mem>>)
        tpu.wait_dma2 semaphore(%run_scoped3A : memref<!tpu.dma_semaphore, #tpu.memory_space<semaphore_mem>>) src(%arg3 : memref<365x128xf32, #tpu.memory_space<hbm>>) dst(%arg14 : memref<365x128xf32, #tpu.memory_space<vmem_shared>>)
        tpu.yield
      }) : () -> ()
    } else {
    }
    %barrier3A = arith.constant 0 : index
    tpu.barrier barrier_id(%barrier3A)
    "tpu.region"() ({
      %run_scoped3A = tpu.sem_alloc : memref<!tpu.dma_semaphore, #tpu.memory_space<semaphore_mem>>
      %dma_start3A_91 = tpu.memref_slice %arg2[%mul3A_2] : memref<819200xi32, #tpu.memory_space<hbm>> -> memref<25600xi32, #tpu.memory_space<hbm>>
      %dma_start3A_92 = tpu.memref_slice %arg2[%mul3A_2] : memref<819200xi32, #tpu.memory_space<hbm>> -> memref<25600xi32, #tpu.memory_space<hbm>>
      tpu.enqueue_dma source(%dma_start3A_92 : memref<25600xi32, #tpu.memory_space<hbm>>) target(%arg5 : memref<25600xi32, #tpu.memory_space<vmem>>) target_semaphore(%run_scoped3A : memref<!tpu.dma_semaphore, #tpu.memory_space<semaphore_mem>>)
      %dma_wait3A_93 = tpu.memref_slice %arg2[%mul3A_2] : memref<819200xi32, #tpu.memory_space<hbm>> -> memref<25600xi32, #tpu.memory_space<hbm>>
      %dma_wait3A_94 = tpu.memref_slice %arg2[%mul3A_2] : memref<819200xi32, #tpu.memory_space<hbm>> -> memref<25600xi32, #tpu.memory_space<hbm>>
      tpu.wait_dma2 semaphore(%run_scoped3A : memref<!tpu.dma_semaphore, #tpu.memory_space<semaphore_mem>>) src(%dma_wait3A_94 : memref<25600xi32, #tpu.memory_space<hbm>>) dst(%arg5 : memref<25600xi32, #tpu.memory_space<vmem>>)
      tpu.yield
    }) : () -> ()
    %multiple_of3A = arith.constant 0 : i32
    %multiple_of3A_5 = tpu.assume_multiple %multiple_of3A, 8 : i32
    %dma_start3A = tpu.memref_slice %arg5[%multiple_of3A_5] : memref<25600xi32, #tpu.memory_space<vmem>> -> memref<64xi32, #tpu.memory_space<vmem>>
    %dma_start3A_6 = arith.constant 0 : i32
    %dma_start3A_7 = arith.constant 0 : i32
    %dma_start3A_8 = tpu.memref_slice %arg14[%dma_start3A_6, %dma_start3A_7] : memref<365x128xf32, #tpu.memory_space<vmem_shared>> -> memref<365x128xf32, #tpu.memory_space<vmem_shared>>
    tpu.enqueue_indirect_dma source(%dma_start3A_8 : memref<365x128xf32, #tpu.memory_space<vmem_shared>>) target(%arg6 : memref<64x128xf32, #tpu.memory_space<vmem>>) offsets(%dma_start3A : memref<64xi32, #tpu.memory_space<vmem>>) semaphore(%arg15 : memref<!tpu.dma_semaphore, #tpu.memory_space<semaphore_mem>>)
    %multiple_of3A_9 = arith.constant 64 : i32
    %multiple_of3A_10 = tpu.assume_multiple %multiple_of3A_9, 8 : i32
    %dma_start3A_11 = tpu.memref_slice %arg5[%multiple_of3A_10] : memref<25600xi32, #tpu.memory_space<vmem>> -> memref<64xi32, #tpu.memory_space<vmem>>
    %dma_start3A_12 = arith.constant 0 : i32
    %dma_start3A_13 = arith.constant 0 : i32
    %dma_start3A_14 = tpu.memref_slice %arg14[%dma_start3A_12, %dma_start3A_13] : memref<365x128xf32, #tpu.memory_space<vmem_shared>> -> memref<365x128xf32, #tpu.memory_space<vmem_shared>>
    tpu.enqueue_indirect_dma source(%dma_start3A_14 : memref<365x128xf32, #tpu.memory_space<vmem_shared>>) target(%arg7 : memref<64x128xf32, #tpu.memory_space<vmem>>) offsets(%dma_start3A_11 : memref<64xi32, #tpu.memory_space<vmem>>) semaphore(%arg16 : memref<!tpu.dma_semaphore, #tpu.memory_space<semaphore_mem>>)
    %multiple_of3A_15 = arith.constant 128 : i32
    %multiple_of3A_16 = tpu.assume_multiple %multiple_of3A_15, 8 : i32
    %dma_start3A_17 = tpu.memref_slice %arg5[%multiple_of3A_16] : memref<25600xi32, #tpu.memory_space<vmem>> -> memref<64xi32, #tpu.memory_space<vmem>>
    %dma_start3A_18 = arith.constant 0 : i32
    %dma_start3A_19 = arith.constant 0 : i32
    %dma_start3A_20 = tpu.memref_slice %arg14[%dma_start3A_18, %dma_start3A_19] : memref<365x128xf32, #tpu.memory_space<vmem_shared>> -> memref<365x128xf32, #tpu.memory_space<vmem_shared>>
    tpu.enqueue_indirect_dma source(%dma_start3A_20 : memref<365x128xf32, #tpu.memory_space<vmem_shared>>) target(%arg8 : memref<64x128xf32, #tpu.memory_space<vmem>>) offsets(%dma_start3A_17 : memref<64xi32, #tpu.memory_space<vmem>>) semaphore(%arg17 : memref<!tpu.dma_semaphore, #tpu.memory_space<semaphore_mem>>)
    %multiple_of3A_21 = arith.constant 192 : i32
    %multiple_of3A_22 = tpu.assume_multiple %multiple_of3A_21, 8 : i32
    %dma_start3A_23 = tpu.memref_slice %arg5[%multiple_of3A_22] : memref<25600xi32, #tpu.memory_space<vmem>> -> memref<64xi32, #tpu.memory_space<vmem>>
    %dma_start3A_24 = arith.constant 0 : i32
    %dma_start3A_25 = arith.constant 0 : i32
    %dma_start3A_26 = tpu.memref_slice %arg14[%dma_start3A_24, %dma_start3A_25] : memref<365x128xf32, #tpu.memory_space<vmem_shared>> -> memref<365x128xf32, #tpu.memory_space<vmem_shared>>
    tpu.enqueue_indirect_dma source(%dma_start3A_26 : memref<365x128xf32, #tpu.memory_space<vmem_shared>>) target(%arg9 : memref<64x128xf32, #tpu.memory_space<vmem>>) offsets(%dma_start3A_23 : memref<64xi32, #tpu.memory_space<vmem>>) semaphore(%arg18 : memref<!tpu.dma_semaphore, #tpu.memory_space<semaphore_mem>>)
    %multiple_of3A_27 = arith.constant 256 : i32
    %multiple_of3A_28 = tpu.assume_multiple %multiple_of3A_27, 8 : i32
    %dma_start3A_29 = tpu.memref_slice %arg5[%multiple_of3A_28] : memref<25600xi32, #tpu.memory_space<vmem>> -> memref<64xi32, #tpu.memory_space<vmem>>
    %dma_start3A_30 = arith.constant 0 : i32
    %dma_start3A_31 = arith.constant 0 : i32
    %dma_start3A_32 = tpu.memref_slice %arg14[%dma_start3A_30, %dma_start3A_31] : memref<365x128xf32, #tpu.memory_space<vmem_shared>> -> memref<365x128xf32, #tpu.memory_space<vmem_shared>>
    tpu.enqueue_indirect_dma source(%dma_start3A_32 : memref<365x128xf32, #tpu.memory_space<vmem_shared>>) target(%arg10 : memref<64x128xf32, #tpu.memory_space<vmem>>) offsets(%dma_start3A_29 : memref<64xi32, #tpu.memory_space<vmem>>) semaphore(%arg19 : memref<!tpu.dma_semaphore, #tpu.memory_space<semaphore_mem>>)
    %multiple_of3A_33 = arith.constant 320 : i32
    %multiple_of3A_34 = tpu.assume_multiple %multiple_of3A_33, 8 : i32
    %dma_start3A_35 = tpu.memref_slice %arg5[%multiple_of3A_34] : memref<25600xi32, #tpu.memory_space<vmem>> -> memref<64xi32, #tpu.memory_space<vmem>>
    %dma_start3A_36 = arith.constant 0 : i32
    %dma_start3A_37 = arith.constant 0 : i32
    %dma_start3A_38 = tpu.memref_slice %arg14[%dma_start3A_36, %dma_start3A_37] : memref<365x128xf32, #tpu.memory_space<vmem_shared>> -> memref<365x128xf32, #tpu.memory_space<vmem_shared>>
    tpu.enqueue_indirect_dma source(%dma_start3A_38 : memref<365x128xf32, #tpu.memory_space<vmem_shared>>) target(%arg11 : memref<64x128xf32, #tpu.memory_space<vmem>>) offsets(%dma_start3A_35 : memref<64xi32, #tpu.memory_space<vmem>>) semaphore(%arg20 : memref<!tpu.dma_semaphore, #tpu.memory_space<semaphore_mem>>)
    %scan3A = arith.constant 0 : i32
    %scan3A_39 = arith.constant 0 : i32
    %scan3A_40 = arith.constant 50 : i32
    %scan3A_41 = arith.addi %scan3A_39, %scan3A_40 : i32
    %scan3A_42 = arith.constant 1 : i32
    scf.for %scan3A_91 = %scan3A_39 to %scan3A_41 step %scan3A_42  : i32 {
      %mul3A_92 = arith.constant 8 : i32
      %mul3A_93 = arith.muli %mul3A_92, %scan3A_91 : i32
      %add3A_94 = arith.constant 0 : i32
      %add3A_95 = arith.addi %mul3A_93, %add3A_94 : i32
      %dma_wait3A_96 = arith.constant 0 : i32
      %dma_wait3A_97 = arith.constant 0 : i32
      %dma_wait3A_98 = tpu.memref_slice %arg4[%dma_wait3A_96, %dma_wait3A_97] : memref<819200x128xf32, #tpu.memory_space<hbm>> -> memref<64x128xf32, #tpu.memory_space<hbm>>
      %dma_wait3A_99 = arith.constant 0 : i32
      %dma_wait3A_100 = arith.constant 0 : i32
      %dma_wait3A_101 = tpu.memref_slice %arg4[%dma_wait3A_99, %dma_wait3A_100] : memref<819200x128xf32, #tpu.memory_space<hbm>> -> memref<64x128xf32, #tpu.memory_space<hbm>>
      tpu.wait_dma2 semaphore(%arg15 : memref<!tpu.dma_semaphore, #tpu.memory_space<semaphore_mem>>) src(%dma_wait3A_101 : memref<64x128xf32, #tpu.memory_space<hbm>>) dst(%arg6 : memref<64x128xf32, #tpu.memory_space<vmem>>)
      %add3A_102 = arith.constant 6 : i32
      %add3A_103 = arith.addi %add3A_95, %add3A_102 : i32
      %lt3A = arith.constant 400 : i32
      %lt3A_104 = arith.cmpi slt, %add3A_103, %lt3A : i32
      %convert_element_type3A_105 = arith.extui %lt3A_104 : i1 to i32
      %cond3A_106 = arith.constant 0 : i32
      %cond3A_107 = arith.cmpi ne, %convert_element_type3A_105, %cond3A_106 : i32
      scf.if %cond3A_107 {
        %ge3A = arith.constant 2 : i32
        %ge3A_291 = arith.cmpi sge, %add3A_95, %ge3A : i32
        %convert_element_type3A_292 = arith.extui %ge3A_291 : i1 to i32
        %cond3A_293 = arith.constant 0 : i32
        %cond3A_294 = arith.cmpi ne, %convert_element_type3A_292, %cond3A_293 : i32
        scf.if %cond3A_294 {
          %dma_wait3A_304 = arith.constant 0 : i32
          %dma_wait3A_305 = arith.constant 0 : i32
          %dma_wait3A_306 = tpu.memref_slice %arg4[%dma_wait3A_304, %dma_wait3A_305] : memref<819200x128xf32, #tpu.memory_space<hbm>> -> memref<64x128xf32, #tpu.memory_space<hbm>>
          %dma_wait3A_307 = arith.constant 0 : i32
          %dma_wait3A_308 = arith.constant 0 : i32
          %dma_wait3A_309 = tpu.memref_slice %arg4[%dma_wait3A_307, %dma_wait3A_308] : memref<819200x128xf32, #tpu.memory_space<hbm>> -> memref<64x128xf32, #tpu.memory_space<hbm>>
          tpu.wait_dma2 semaphore(%arg29 : memref<!tpu.dma_semaphore, #tpu.memory_space<semaphore_mem>>) src(%arg12 : memref<64x128xf32, #tpu.memory_space<vmem>>) dst(%dma_wait3A_309 : memref<64x128xf32, #tpu.memory_space<hbm>>)
        } else {
        }
        %add3A_295 = arith.constant 6 : i32
        %add3A_296 = arith.addi %add3A_95, %add3A_295 : i32
        %mul3A_297 = arith.constant 64 : i32
        %mul3A_298 = arith.muli %add3A_296, %mul3A_297 : i32
        %multiple_of3A_299 = tpu.assume_multiple %mul3A_298, 8 : i32
        %dma_start3A_300 = tpu.memref_slice %arg5[%multiple_of3A_299] : memref<25600xi32, #tpu.memory_space<vmem>> -> memref<64xi32, #tpu.memory_space<vmem>>
        %dma_start3A_301 = arith.constant 0 : i32
        %dma_start3A_302 = arith.constant 0 : i32
        %dma_start3A_303 = tpu.memref_slice %arg14[%dma_start3A_301, %dma_start3A_302] : memref<365x128xf32, #tpu.memory_space<vmem_shared>> -> memref<365x128xf32, #tpu.memory_space<vmem_shared>>
        tpu.enqueue_indirect_dma source(%dma_start3A_303 : memref<365x128xf32, #tpu.memory_space<vmem_shared>>) target(%arg12 : memref<64x128xf32, #tpu.memory_space<vmem>>) offsets(%dma_start3A_300 : memref<64xi32, #tpu.memory_space<vmem>>) semaphore(%arg21 : memref<!tpu.dma_semaphore, #tpu.memory_space<semaphore_mem>>)
      } else {
      }
      %mul3A_108 = arith.constant 64 : i32
      %mul3A_109 = arith.muli %add3A_95, %mul3A_108 : i32
      %add3A_110 = arith.addi %mul3A_2, %mul3A_109 : i32
      %multiple_of3A_111 = tpu.assume_multiple %add3A_110, 8 : i32
      %dma_start3A_112 = arith.constant 0 : i32
      %dma_start3A_113 = tpu.memref_slice %arg4[%multiple_of3A_111, %dma_start3A_112] : memref<819200x128xf32, #tpu.memory_space<hbm>> -> memref<64x128xf32, #tpu.memory_space<hbm>>
      %dma_start3A_114 = arith.constant 0 : i32
      %dma_start3A_115 = tpu.memref_slice %arg4[%multiple_of3A_111, %dma_start3A_114] : memref<819200x128xf32, #tpu.memory_space<hbm>> -> memref<64x128xf32, #tpu.memory_space<hbm>>
      tpu.enqueue_dma source(%arg6 : memref<64x128xf32, #tpu.memory_space<vmem>>) target(%dma_start3A_115 : memref<64x128xf32, #tpu.memory_space<hbm>>) target_semaphore(%arg23 : memref<!tpu.dma_semaphore, #tpu.memory_space<semaphore_mem>>)
      %mul3A_116 = arith.constant 8 : i32
      %mul3A_117 = arith.muli %mul3A_116, %scan3A_91 : i32
      %add3A_118 = arith.constant 1 : i32
      %add3A_119 = arith.addi %mul3A_117, %add3A_118 : i32
      %dma_wait3A_120 = arith.constant 0 : i32
      %dma_wait3A_121 = arith.constant 0 : i32
      %dma_wait3A_122 = tpu.memref_slice %arg4[%dma_wait3A_120, %dma_wait3A_121] : memref<819200x128xf32, #tpu.memory_space<hbm>> -> memref<64x128xf32, #tpu.memory_space<hbm>>
      %dma_wait3A_123 = arith.constant 0 : i32
      %dma_wait3A_124 = arith.constant 0 : i32
      %dma_wait3A_125 = tpu.memref_slice %arg4[%dma_wait3A_123, %dma_wait3A_124] : memref<819200x128xf32, #tpu.memory_space<hbm>> -> memref<64x128xf32, #tpu.memory_space<hbm>>
      tpu.wait_dma2 semaphore(%arg16 : memref<!tpu.dma_semaphore, #tpu.memory_space<semaphore_mem>>) src(%dma_wait3A_125 : memref<64x128xf32, #tpu.memory_space<hbm>>) dst(%arg7 : memref<64x128xf32, #tpu.memory_space<vmem>>)
      %add3A_126 = arith.constant 6 : i32
      %add3A_127 = arith.addi %add3A_119, %add3A_126 : i32
      %lt3A_128 = arith.constant 400 : i32
      %lt3A_129 = arith.cmpi slt, %add3A_127, %lt3A_128 : i32
      %convert_element_type3A_130 = arith.extui %lt3A_129 : i1 to i32
      %cond3A_131 = arith.constant 0 : i32
      %cond3A_132 = arith.cmpi ne, %convert_element_type3A_130, %cond3A_131 : i32
      scf.if %cond3A_132 {
        %ge3A = arith.constant 2 : i32
        %ge3A_291 = arith.cmpi sge, %add3A_119, %ge3A : i32
        %convert_element_type3A_292 = arith.extui %ge3A_291 : i1 to i32
        %cond3A_293 = arith.constant 0 : i32
        %cond3A_294 = arith.cmpi ne, %convert_element_type3A_292, %cond3A_293 : i32
        scf.if %cond3A_294 {
          %dma_wait3A_304 = arith.constant 0 : i32
          %dma_wait3A_305 = arith.constant 0 : i32
          %dma_wait3A_306 = tpu.memref_slice %arg4[%dma_wait3A_304, %dma_wait3A_305] : memref<819200x128xf32, #tpu.memory_space<hbm>> -> memref<64x128xf32, #tpu.memory_space<hbm>>
          %dma_wait3A_307 = arith.constant 0 : i32
          %dma_wait3A_308 = arith.constant 0 : i32
          %dma_wait3A_309 = tpu.memref_slice %arg4[%dma_wait3A_307, %dma_wait3A_308] : memref<819200x128xf32, #tpu.memory_space<hbm>> -> memref<64x128xf32, #tpu.memory_space<hbm>>
          tpu.wait_dma2 semaphore(%arg30 : memref<!tpu.dma_semaphore, #tpu.memory_space<semaphore_mem>>) src(%arg13 : memref<64x128xf32, #tpu.memory_space<vmem>>) dst(%dma_wait3A_309 : memref<64x128xf32, #tpu.memory_space<hbm>>)
        } else {
        }
        %add3A_295 = arith.constant 6 : i32
        %add3A_296 = arith.addi %add3A_119, %add3A_295 : i32
        %mul3A_297 = arith.constant 64 : i32
        %mul3A_298 = arith.muli %add3A_296, %mul3A_297 : i32
        %multiple_of3A_299 = tpu.assume_multiple %mul3A_298, 8 : i32
        %dma_start3A_300 = tpu.memref_slice %arg5[%multiple_of3A_299] : memref<25600xi32, #tpu.memory_space<vmem>> -> memref<64xi32, #tpu.memory_space<vmem>>
        %dma_start3A_301 = arith.constant 0 : i32
        %dma_start3A_302 = arith.constant 0 : i32
        %dma_start3A_303 = tpu.memref_slice %arg14[%dma_start3A_301, %dma_start3A_302] : memref<365x128xf32, #tpu.memory_space<vmem_shared>> -> memref<365x128xf32, #tpu.memory_space<vmem_shared>>
        tpu.enqueue_indirect_dma source(%dma_start3A_303 : memref<365x128xf32, #tpu.memory_space<vmem_shared>>) target(%arg13 : memref<64x128xf32, #tpu.memory_space<vmem>>) offsets(%dma_start3A_300 : memref<64xi32, #tpu.memory_space<vmem>>) semaphore(%arg22 : memref<!tpu.dma_semaphore, #tpu.memory_space<semaphore_mem>>)
      } else {
      }
      %mul3A_133 = arith.constant 64 : i32
      %mul3A_134 = arith.muli %add3A_119, %mul3A_133 : i32
      %add3A_135 = arith.addi %mul3A_2, %mul3A_134 : i32
      %multiple_of3A_136 = tpu.assume_multiple %add3A_135, 8 : i32
      %dma_start3A_137 = arith.constant 0 : i32
      %dma_start3A_138 = tpu.memref_slice %arg4[%multiple_of3A_136, %dma_start3A_137] : memref<819200x128xf32, #tpu.memory_space<hbm>> -> memref<64x128xf32, #tpu.memory_space<hbm>>
      %dma_start3A_139 = arith.constant 0 : i32
      %dma_start3A_140 = tpu.memref_slice %arg4[%multiple_of3A_136, %dma_start3A_139] : memref<819200x128xf32, #tpu.memory_space<hbm>> -> memref<64x128xf32, #tpu.memory_space<hbm>>
      tpu.enqueue_dma source(%arg7 : memref<64x128xf32, #tpu.memory_space<vmem>>) target(%dma_start3A_140 : memref<64x128xf32, #tpu.memory_space<hbm>>) target_semaphore(%arg24 : memref<!tpu.dma_semaphore, #tpu.memory_space<semaphore_mem>>)
      %mul3A_141 = arith.constant 8 : i32
      %mul3A_142 = arith.muli %mul3A_141, %scan3A_91 : i32
      %add3A_143 = arith.constant 2 : i32
      %add3A_144 = arith.addi %mul3A_142, %add3A_143 : i32
      %dma_wait3A_145 = arith.constant 0 : i32
      %dma_wait3A_146 = arith.constant 0 : i32
      %dma_wait3A_147 = tpu.memref_slice %arg4[%dma_wait3A_145, %dma_wait3A_146] : memref<819200x128xf32, #tpu.memory_space<hbm>> -> memref<64x128xf32, #tpu.memory_space<hbm>>
      %dma_wait3A_148 = arith.constant 0 : i32
      %dma_wait3A_149 = arith.constant 0 : i32
      %dma_wait3A_150 = tpu.memref_slice %arg4[%dma_wait3A_148, %dma_wait3A_149] : memref<819200x128xf32, #tpu.memory_space<hbm>> -> memref<64x128xf32, #tpu.memory_space<hbm>>
      tpu.wait_dma2 semaphore(%arg17 : memref<!tpu.dma_semaphore, #tpu.memory_space<semaphore_mem>>) src(%dma_wait3A_150 : memref<64x128xf32, #tpu.memory_space<hbm>>) dst(%arg8 : memref<64x128xf32, #tpu.memory_space<vmem>>)
      %add3A_151 = arith.constant 6 : i32
      %add3A_152 = arith.addi %add3A_144, %add3A_151 : i32
      %lt3A_153 = arith.constant 400 : i32
      %lt3A_154 = arith.cmpi slt, %add3A_152, %lt3A_153 : i32
      %convert_element_type3A_155 = arith.extui %lt3A_154 : i1 to i32
      %cond3A_156 = arith.constant 0 : i32
      %cond3A_157 = arith.cmpi ne, %convert_element_type3A_155, %cond3A_156 : i32
      scf.if %cond3A_157 {
        %ge3A = arith.constant 2 : i32
        %ge3A_291 = arith.cmpi sge, %add3A_144, %ge3A : i32
        %convert_element_type3A_292 = arith.extui %ge3A_291 : i1 to i32
        %cond3A_293 = arith.constant 0 : i32
        %cond3A_294 = arith.cmpi ne, %convert_element_type3A_292, %cond3A_293 : i32
        scf.if %cond3A_294 {
          %dma_wait3A_304 = arith.constant 0 : i32
          %dma_wait3A_305 = arith.constant 0 : i32
          %dma_wait3A_306 = tpu.memref_slice %arg4[%dma_wait3A_304, %dma_wait3A_305] : memref<819200x128xf32, #tpu.memory_space<hbm>> -> memref<64x128xf32, #tpu.memory_space<hbm>>
          %dma_wait3A_307 = arith.constant 0 : i32
          %dma_wait3A_308 = arith.constant 0 : i32
          %dma_wait3A_309 = tpu.memref_slice %arg4[%dma_wait3A_307, %dma_wait3A_308] : memref<819200x128xf32, #tpu.memory_space<hbm>> -> memref<64x128xf32, #tpu.memory_space<hbm>>
          tpu.wait_dma2 semaphore(%arg23 : memref<!tpu.dma_semaphore, #tpu.memory_space<semaphore_mem>>) src(%arg6 : memref<64x128xf32, #tpu.memory_space<vmem>>) dst(%dma_wait3A_309 : memref<64x128xf32, #tpu.memory_space<hbm>>)
        } else {
        }
        %add3A_295 = arith.constant 6 : i32
        %add3A_296 = arith.addi %add3A_144, %add3A_295 : i32
        %mul3A_297 = arith.constant 64 : i32
        %mul3A_298 = arith.muli %add3A_296, %mul3A_297 : i32
        %multiple_of3A_299 = tpu.assume_multiple %mul3A_298, 8 : i32
        %dma_start3A_300 = tpu.memref_slice %arg5[%multiple_of3A_299] : memref<25600xi32, #tpu.memory_space<vmem>> -> memref<64xi32, #tpu.memory_space<vmem>>
        %dma_start3A_301 = arith.constant 0 : i32
        %dma_start3A_302 = arith.constant 0 : i32
        %dma_start3A_303 = tpu.memref_slice %arg14[%dma_start3A_301, %dma_start3A_302] : memref<365x128xf32, #tpu.memory_space<vmem_shared>> -> memref<365x128xf32, #tpu.memory_space<vmem_shared>>
        tpu.enqueue_indirect_dma source(%dma_start3A_303 : memref<365x128xf32, #tpu.memory_space<vmem_shared>>) target(%arg6 : memref<64x128xf32, #tpu.memory_space<vmem>>) offsets(%dma_start3A_300 : memref<64xi32, #tpu.memory_space<vmem>>) semaphore(%arg15 : memref<!tpu.dma_semaphore, #tpu.memory_space<semaphore_mem>>)
      } else {
      }
      %mul3A_158 = arith.constant 64 : i32
      %mul3A_159 = arith.muli %add3A_144, %mul3A_158 : i32
      %add3A_160 = arith.addi %mul3A_2, %mul3A_159 : i32
      %multiple_of3A_161 = tpu.assume_multiple %add3A_160, 8 : i32
      %dma_start3A_162 = arith.constant 0 : i32
      %dma_start3A_163 = tpu.memref_slice %arg4[%multiple_of3A_161, %dma_start3A_162] : memref<819200x128xf32, #tpu.memory_space<hbm>> -> memref<64x128xf32, #tpu.memory_space<hbm>>
      %dma_start3A_164 = arith.constant 0 : i32
      %dma_start3A_165 = tpu.memref_slice %arg4[%multiple_of3A_161, %dma_start3A_164] : memref<819200x128xf32, #tpu.memory_space<hbm>> -> memref<64x128xf32, #tpu.memory_space<hbm>>
      tpu.enqueue_dma source(%arg8 : memref<64x128xf32, #tpu.memory_space<vmem>>) target(%dma_start3A_165 : memref<64x128xf32, #tpu.memory_space<hbm>>) target_semaphore(%arg25 : memref<!tpu.dma_semaphore, #tpu.memory_space<semaphore_mem>>)
      %mul3A_166 = arith.constant 8 : i32
      %mul3A_167 = arith.muli %mul3A_166, %scan3A_91 : i32
      %add3A_168 = arith.constant 3 : i32
      %add3A_169 = arith.addi %mul3A_167, %add3A_168 : i32
      %dma_wait3A_170 = arith.constant 0 : i32
      %dma_wait3A_171 = arith.constant 0 : i32
      %dma_wait3A_172 = tpu.memref_slice %arg4[%dma_wait3A_170, %dma_wait3A_171] : memref<819200x128xf32, #tpu.memory_space<hbm>> -> memref<64x128xf32, #tpu.memory_space<hbm>>
      %dma_wait3A_173 = arith.constant 0 : i32
      %dma_wait3A_174 = arith.constant 0 : i32
      %dma_wait3A_175 = tpu.memref_slice %arg4[%dma_wait3A_173, %dma_wait3A_174] : memref<819200x128xf32, #tpu.memory_space<hbm>> -> memref<64x128xf32, #tpu.memory_space<hbm>>
      tpu.wait_dma2 semaphore(%arg18 : memref<!tpu.dma_semaphore, #tpu.memory_space<semaphore_mem>>) src(%dma_wait3A_175 : memref<64x128xf32, #tpu.memory_space<hbm>>) dst(%arg9 : memref<64x128xf32, #tpu.memory_space<vmem>>)
      %add3A_176 = arith.constant 6 : i32
      %add3A_177 = arith.addi %add3A_169, %add3A_176 : i32
      %lt3A_178 = arith.constant 400 : i32
      %lt3A_179 = arith.cmpi slt, %add3A_177, %lt3A_178 : i32
      %convert_element_type3A_180 = arith.extui %lt3A_179 : i1 to i32
      %cond3A_181 = arith.constant 0 : i32
      %cond3A_182 = arith.cmpi ne, %convert_element_type3A_180, %cond3A_181 : i32
      scf.if %cond3A_182 {
        %ge3A = arith.constant 2 : i32
        %ge3A_291 = arith.cmpi sge, %add3A_169, %ge3A : i32
        %convert_element_type3A_292 = arith.extui %ge3A_291 : i1 to i32
        %cond3A_293 = arith.constant 0 : i32
        %cond3A_294 = arith.cmpi ne, %convert_element_type3A_292, %cond3A_293 : i32
        scf.if %cond3A_294 {
          %dma_wait3A_304 = arith.constant 0 : i32
          %dma_wait3A_305 = arith.constant 0 : i32
          %dma_wait3A_306 = tpu.memref_slice %arg4[%dma_wait3A_304, %dma_wait3A_305] : memref<819200x128xf32, #tpu.memory_space<hbm>> -> memref<64x128xf32, #tpu.memory_space<hbm>>
          %dma_wait3A_307 = arith.constant 0 : i32
          %dma_wait3A_308 = arith.constant 0 : i32
          %dma_wait3A_309 = tpu.memref_slice %arg4[%dma_wait3A_307, %dma_wait3A_308] : memref<819200x128xf32, #tpu.memory_space<hbm>> -> memref<64x128xf32, #tpu.memory_space<hbm>>
          tpu.wait_dma2 semaphore(%arg24 : memref<!tpu.dma_semaphore, #tpu.memory_space<semaphore_mem>>) src(%arg7 : memref<64x128xf32, #tpu.memory_space<vmem>>) dst(%dma_wait3A_309 : memref<64x128xf32, #tpu.memory_space<hbm>>)
        } else {
        }
        %add3A_295 = arith.constant 6 : i32
        %add3A_296 = arith.addi %add3A_169, %add3A_295 : i32
        %mul3A_297 = arith.constant 64 : i32
        %mul3A_298 = arith.muli %add3A_296, %mul3A_297 : i32
        %multiple_of3A_299 = tpu.assume_multiple %mul3A_298, 8 : i32
        %dma_start3A_300 = tpu.memref_slice %arg5[%multiple_of3A_299] : memref<25600xi32, #tpu.memory_space<vmem>> -> memref<64xi32, #tpu.memory_space<vmem>>
        %dma_start3A_301 = arith.constant 0 : i32
        %dma_start3A_302 = arith.constant 0 : i32
        %dma_start3A_303 = tpu.memref_slice %arg14[%dma_start3A_301, %dma_start3A_302] : memref<365x128xf32, #tpu.memory_space<vmem_shared>> -> memref<365x128xf32, #tpu.memory_space<vmem_shared>>
        tpu.enqueue_indirect_dma source(%dma_start3A_303 : memref<365x128xf32, #tpu.memory_space<vmem_shared>>) target(%arg7 : memref<64x128xf32, #tpu.memory_space<vmem>>) offsets(%dma_start3A_300 : memref<64xi32, #tpu.memory_space<vmem>>) semaphore(%arg16 : memref<!tpu.dma_semaphore, #tpu.memory_space<semaphore_mem>>)
      } else {
      }
      %mul3A_183 = arith.constant 64 : i32
      %mul3A_184 = arith.muli %add3A_169, %mul3A_183 : i32
      %add3A_185 = arith.addi %mul3A_2, %mul3A_184 : i32
      %multiple_of3A_186 = tpu.assume_multiple %add3A_185, 8 : i32
      %dma_start3A_187 = arith.constant 0 : i32
      %dma_start3A_188 = tpu.memref_slice %arg4[%multiple_of3A_186, %dma_start3A_187] : memref<819200x128xf32, #tpu.memory_space<hbm>> -> memref<64x128xf32, #tpu.memory_space<hbm>>
      %dma_start3A_189 = arith.constant 0 : i32
      %dma_start3A_190 = tpu.memref_slice %arg4[%multiple_of3A_186, %dma_start3A_189] : memref<819200x128xf32, #tpu.memory_space<hbm>> -> memref<64x128xf32, #tpu.memory_space<hbm>>
      tpu.enqueue_dma source(%arg9 : memref<64x128xf32, #tpu.memory_space<vmem>>) target(%dma_start3A_190 : memref<64x128xf32, #tpu.memory_space<hbm>>) target_semaphore(%arg26 : memref<!tpu.dma_semaphore, #tpu.memory_space<semaphore_mem>>)
      %mul3A_191 = arith.constant 8 : i32
      %mul3A_192 = arith.muli %mul3A_191, %scan3A_91 : i32
      %add3A_193 = arith.constant 4 : i32
      %add3A_194 = arith.addi %mul3A_192, %add3A_193 : i32
      %dma_wait3A_195 = arith.constant 0 : i32
      %dma_wait3A_196 = arith.constant 0 : i32
      %dma_wait3A_197 = tpu.memref_slice %arg4[%dma_wait3A_195, %dma_wait3A_196] : memref<819200x128xf32, #tpu.memory_space<hbm>> -> memref<64x128xf32, #tpu.memory_space<hbm>>
      %dma_wait3A_198 = arith.constant 0 : i32
      %dma_wait3A_199 = arith.constant 0 : i32
      %dma_wait3A_200 = tpu.memref_slice %arg4[%dma_wait3A_198, %dma_wait3A_199] : memref<819200x128xf32, #tpu.memory_space<hbm>> -> memref<64x128xf32, #tpu.memory_space<hbm>>
      tpu.wait_dma2 semaphore(%arg19 : memref<!tpu.dma_semaphore, #tpu.memory_space<semaphore_mem>>) src(%dma_wait3A_200 : memref<64x128xf32, #tpu.memory_space<hbm>>) dst(%arg10 : memref<64x128xf32, #tpu.memory_space<vmem>>)
      %add3A_201 = arith.constant 6 : i32
      %add3A_202 = arith.addi %add3A_194, %add3A_201 : i32
      %lt3A_203 = arith.constant 400 : i32
      %lt3A_204 = arith.cmpi slt, %add3A_202, %lt3A_203 : i32
      %convert_element_type3A_205 = arith.extui %lt3A_204 : i1 to i32
      %cond3A_206 = arith.constant 0 : i32
      %cond3A_207 = arith.cmpi ne, %convert_element_type3A_205, %cond3A_206 : i32
      scf.if %cond3A_207 {
        %ge3A = arith.constant 2 : i32
        %ge3A_291 = arith.cmpi sge, %add3A_194, %ge3A : i32
        %convert_element_type3A_292 = arith.extui %ge3A_291 : i1 to i32
        %cond3A_293 = arith.constant 0 : i32
        %cond3A_294 = arith.cmpi ne, %convert_element_type3A_292, %cond3A_293 : i32
        scf.if %cond3A_294 {
          %dma_wait3A_304 = arith.constant 0 : i32
          %dma_wait3A_305 = arith.constant 0 : i32
          %dma_wait3A_306 = tpu.memref_slice %arg4[%dma_wait3A_304, %dma_wait3A_305] : memref<819200x128xf32, #tpu.memory_space<hbm>> -> memref<64x128xf32, #tpu.memory_space<hbm>>
          %dma_wait3A_307 = arith.constant 0 : i32
          %dma_wait3A_308 = arith.constant 0 : i32
          %dma_wait3A_309 = tpu.memref_slice %arg4[%dma_wait3A_307, %dma_wait3A_308] : memref<819200x128xf32, #tpu.memory_space<hbm>> -> memref<64x128xf32, #tpu.memory_space<hbm>>
          tpu.wait_dma2 semaphore(%arg25 : memref<!tpu.dma_semaphore, #tpu.memory_space<semaphore_mem>>) src(%arg8 : memref<64x128xf32, #tpu.memory_space<vmem>>) dst(%dma_wait3A_309 : memref<64x128xf32, #tpu.memory_space<hbm>>)
        } else {
        }
        %add3A_295 = arith.constant 6 : i32
        %add3A_296 = arith.addi %add3A_194, %add3A_295 : i32
        %mul3A_297 = arith.constant 64 : i32
        %mul3A_298 = arith.muli %add3A_296, %mul3A_297 : i32
        %multiple_of3A_299 = tpu.assume_multiple %mul3A_298, 8 : i32
        %dma_start3A_300 = tpu.memref_slice %arg5[%multiple_of3A_299] : memref<25600xi32, #tpu.memory_space<vmem>> -> memref<64xi32, #tpu.memory_space<vmem>>
        %dma_start3A_301 = arith.constant 0 : i32
        %dma_start3A_302 = arith.constant 0 : i32
        %dma_start3A_303 = tpu.memref_slice %arg14[%dma_start3A_301, %dma_start3A_302] : memref<365x128xf32, #tpu.memory_space<vmem_shared>> -> memref<365x128xf32, #tpu.memory_space<vmem_shared>>
        tpu.enqueue_indirect_dma source(%dma_start3A_303 : memref<365x128xf32, #tpu.memory_space<vmem_shared>>) target(%arg8 : memref<64x128xf32, #tpu.memory_space<vmem>>) offsets(%dma_start3A_300 : memref<64xi32, #tpu.memory_space<vmem>>) semaphore(%arg17 : memref<!tpu.dma_semaphore, #tpu.memory_space<semaphore_mem>>)
      } else {
      }
      %mul3A_208 = arith.constant 64 : i32
      %mul3A_209 = arith.muli %add3A_194, %mul3A_208 : i32
      %add3A_210 = arith.addi %mul3A_2, %mul3A_209 : i32
      %multiple_of3A_211 = tpu.assume_multiple %add3A_210, 8 : i32
      %dma_start3A_212 = arith.constant 0 : i32
      %dma_start3A_213 = tpu.memref_slice %arg4[%multiple_of3A_211, %dma_start3A_212] : memref<819200x128xf32, #tpu.memory_space<hbm>> -> memref<64x128xf32, #tpu.memory_space<hbm>>
      %dma_start3A_214 = arith.constant 0 : i32
      %dma_start3A_215 = tpu.memref_slice %arg4[%multiple_of3A_211, %dma_start3A_214] : memref<819200x128xf32, #tpu.memory_space<hbm>> -> memref<64x128xf32, #tpu.memory_space<hbm>>
      tpu.enqueue_dma source(%arg10 : memref<64x128xf32, #tpu.memory_space<vmem>>) target(%dma_start3A_215 : memref<64x128xf32, #tpu.memory_space<hbm>>) target_semaphore(%arg27 : memref<!tpu.dma_semaphore, #tpu.memory_space<semaphore_mem>>)
      %mul3A_216 = arith.constant 8 : i32
      %mul3A_217 = arith.muli %mul3A_216, %scan3A_91 : i32
      %add3A_218 = arith.constant 5 : i32
      %add3A_219 = arith.addi %mul3A_217, %add3A_218 : i32
      %dma_wait3A_220 = arith.constant 0 : i32
      %dma_wait3A_221 = arith.constant 0 : i32
      %dma_wait3A_222 = tpu.memref_slice %arg4[%dma_wait3A_220, %dma_wait3A_221] : memref<819200x128xf32, #tpu.memory_space<hbm>> -> memref<64x128xf32, #tpu.memory_space<hbm>>
      %dma_wait3A_223 = arith.constant 0 : i32
      %dma_wait3A_224 = arith.constant 0 : i32
      %dma_wait3A_225 = tpu.memref_slice %arg4[%dma_wait3A_223, %dma_wait3A_224] : memref<819200x128xf32, #tpu.memory_space<hbm>> -> memref<64x128xf32, #tpu.memory_space<hbm>>
      tpu.wait_dma2 semaphore(%arg20 : memref<!tpu.dma_semaphore, #tpu.memory_space<semaphore_mem>>) src(%dma_wait3A_225 : memref<64x128xf32, #tpu.memory_space<hbm>>) dst(%arg11 : memref<64x128xf32, #tpu.memory_space<vmem>>)
      %add3A_226 = arith.constant 6 : i32
      %add3A_227 = arith.addi %add3A_219, %add3A_226 : i32
      %lt3A_228 = arith.constant 400 : i32
      %lt3A_229 = arith.cmpi slt, %add3A_227, %lt3A_228 : i32
      %convert_element_type3A_230 = arith.extui %lt3A_229 : i1 to i32
      %cond3A_231 = arith.constant 0 : i32
      %cond3A_232 = arith.cmpi ne, %convert_element_type3A_230, %cond3A_231 : i32
      scf.if %cond3A_232 {
        %ge3A = arith.constant 2 : i32
        %ge3A_291 = arith.cmpi sge, %add3A_219, %ge3A : i32
        %convert_element_type3A_292 = arith.extui %ge3A_291 : i1 to i32
        %cond3A_293 = arith.constant 0 : i32
        %cond3A_294 = arith.cmpi ne, %convert_element_type3A_292, %cond3A_293 : i32
        scf.if %cond3A_294 {
          %dma_wait3A_304 = arith.constant 0 : i32
          %dma_wait3A_305 = arith.constant 0 : i32
          %dma_wait3A_306 = tpu.memref_slice %arg4[%dma_wait3A_304, %dma_wait3A_305] : memref<819200x128xf32, #tpu.memory_space<hbm>> -> memref<64x128xf32, #tpu.memory_space<hbm>>
          %dma_wait3A_307 = arith.constant 0 : i32
          %dma_wait3A_308 = arith.constant 0 : i32
          %dma_wait3A_309 = tpu.memref_slice %arg4[%dma_wait3A_307, %dma_wait3A_308] : memref<819200x128xf32, #tpu.memory_space<hbm>> -> memref<64x128xf32, #tpu.memory_space<hbm>>
          tpu.wait_dma2 semaphore(%arg26 : memref<!tpu.dma_semaphore, #tpu.memory_space<semaphore_mem>>) src(%arg9 : memref<64x128xf32, #tpu.memory_space<vmem>>) dst(%dma_wait3A_309 : memref<64x128xf32, #tpu.memory_space<hbm>>)
        } else {
        }
        %add3A_295 = arith.constant 6 : i32
        %add3A_296 = arith.addi %add3A_219, %add3A_295 : i32
        %mul3A_297 = arith.constant 64 : i32
        %mul3A_298 = arith.muli %add3A_296, %mul3A_297 : i32
        %multiple_of3A_299 = tpu.assume_multiple %mul3A_298, 8 : i32
        %dma_start3A_300 = tpu.memref_slice %arg5[%multiple_of3A_299] : memref<25600xi32, #tpu.memory_space<vmem>> -> memref<64xi32, #tpu.memory_space<vmem>>
        %dma_start3A_301 = arith.constant 0 : i32
        %dma_start3A_302 = arith.constant 0 : i32
        %dma_start3A_303 = tpu.memref_slice %arg14[%dma_start3A_301, %dma_start3A_302] : memref<365x128xf32, #tpu.memory_space<vmem_shared>> -> memref<365x128xf32, #tpu.memory_space<vmem_shared>>
        tpu.enqueue_indirect_dma source(%dma_start3A_303 : memref<365x128xf32, #tpu.memory_space<vmem_shared>>) target(%arg9 : memref<64x128xf32, #tpu.memory_space<vmem>>) offsets(%dma_start3A_300 : memref<64xi32, #tpu.memory_space<vmem>>) semaphore(%arg18 : memref<!tpu.dma_semaphore, #tpu.memory_space<semaphore_mem>>)
      } else {
      }
      %mul3A_233 = arith.constant 64 : i32
      %mul3A_234 = arith.muli %add3A_219, %mul3A_233 : i32
      %add3A_235 = arith.addi %mul3A_2, %mul3A_234 : i32
      %multiple_of3A_236 = tpu.assume_multiple %add3A_235, 8 : i32
      %dma_start3A_237 = arith.constant 0 : i32
      %dma_start3A_238 = tpu.memref_slice %arg4[%multiple_of3A_236, %dma_start3A_237] : memref<819200x128xf32, #tpu.memory_space<hbm>> -> memref<64x128xf32, #tpu.memory_space<hbm>>
      %dma_start3A_239 = arith.constant 0 : i32
      %dma_start3A_240 = tpu.memref_slice %arg4[%multiple_of3A_236, %dma_start3A_239] : memref<819200x128xf32, #tpu.memory_space<hbm>> -> memref<64x128xf32, #tpu.memory_space<hbm>>
      tpu.enqueue_dma source(%arg11 : memref<64x128xf32, #tpu.memory_space<vmem>>) target(%dma_start3A_240 : memref<64x128xf32, #tpu.memory_space<hbm>>) target_semaphore(%arg28 : memref<!tpu.dma_semaphore, #tpu.memory_space<semaphore_mem>>)
      %mul3A_241 = arith.constant 8 : i32
      %mul3A_242 = arith.muli %mul3A_241, %scan3A_91 : i32
      %add3A_243 = arith.constant 6 : i32
      %add3A_244 = arith.addi %mul3A_242, %add3A_243 : i32
      %dma_wait3A_245 = arith.constant 0 : i32
      %dma_wait3A_246 = arith.constant 0 : i32
      %dma_wait3A_247 = tpu.memref_slice %arg4[%dma_wait3A_245, %dma_wait3A_246] : memref<819200x128xf32, #tpu.memory_space<hbm>> -> memref<64x128xf32, #tpu.memory_space<hbm>>
      %dma_wait3A_248 = arith.constant 0 : i32
      %dma_wait3A_249 = arith.constant 0 : i32
      %dma_wait3A_250 = tpu.memref_slice %arg4[%dma_wait3A_248, %dma_wait3A_249] : memref<819200x128xf32, #tpu.memory_space<hbm>> -> memref<64x128xf32, #tpu.memory_space<hbm>>
      tpu.wait_dma2 semaphore(%arg21 : memref<!tpu.dma_semaphore, #tpu.memory_space<semaphore_mem>>) src(%dma_wait3A_250 : memref<64x128xf32, #tpu.memory_space<hbm>>) dst(%arg12 : memref<64x128xf32, #tpu.memory_space<vmem>>)
      %add3A_251 = arith.constant 6 : i32
      %add3A_252 = arith.addi %add3A_244, %add3A_251 : i32
      %lt3A_253 = arith.constant 400 : i32
      %lt3A_254 = arith.cmpi slt, %add3A_252, %lt3A_253 : i32
      %convert_element_type3A_255 = arith.extui %lt3A_254 : i1 to i32
      %cond3A_256 = arith.constant 0 : i32
      %cond3A_257 = arith.cmpi ne, %convert_element_type3A_255, %cond3A_256 : i32
      scf.if %cond3A_257 {
        %ge3A = arith.constant 2 : i32
        %ge3A_291 = arith.cmpi sge, %add3A_244, %ge3A : i32
        %convert_element_type3A_292 = arith.extui %ge3A_291 : i1 to i32
        %cond3A_293 = arith.constant 0 : i32
        %cond3A_294 = arith.cmpi ne, %convert_element_type3A_292, %cond3A_293 : i32
        scf.if %cond3A_294 {
          %dma_wait3A_304 = arith.constant 0 : i32
          %dma_wait3A_305 = arith.constant 0 : i32
          %dma_wait3A_306 = tpu.memref_slice %arg4[%dma_wait3A_304, %dma_wait3A_305] : memref<819200x128xf32, #tpu.memory_space<hbm>> -> memref<64x128xf32, #tpu.memory_space<hbm>>
          %dma_wait3A_307 = arith.constant 0 : i32
          %dma_wait3A_308 = arith.constant 0 : i32
          %dma_wait3A_309 = tpu.memref_slice %arg4[%dma_wait3A_307, %dma_wait3A_308] : memref<819200x128xf32, #tpu.memory_space<hbm>> -> memref<64x128xf32, #tpu.memory_space<hbm>>
          tpu.wait_dma2 semaphore(%arg27 : memref<!tpu.dma_semaphore, #tpu.memory_space<semaphore_mem>>) src(%arg10 : memref<64x128xf32, #tpu.memory_space<vmem>>) dst(%dma_wait3A_309 : memref<64x128xf32, #tpu.memory_space<hbm>>)
        } else {
        }
        %add3A_295 = arith.constant 6 : i32
        %add3A_296 = arith.addi %add3A_244, %add3A_295 : i32
        %mul3A_297 = arith.constant 64 : i32
        %mul3A_298 = arith.muli %add3A_296, %mul3A_297 : i32
        %multiple_of3A_299 = tpu.assume_multiple %mul3A_298, 8 : i32
        %dma_start3A_300 = tpu.memref_slice %arg5[%multiple_of3A_299] : memref<25600xi32, #tpu.memory_space<vmem>> -> memref<64xi32, #tpu.memory_space<vmem>>
        %dma_start3A_301 = arith.constant 0 : i32
        %dma_start3A_302 = arith.constant 0 : i32
        %dma_start3A_303 = tpu.memref_slice %arg14[%dma_start3A_301, %dma_start3A_302] : memref<365x128xf32, #tpu.memory_space<vmem_shared>> -> memref<365x128xf32, #tpu.memory_space<vmem_shared>>
        tpu.enqueue_indirect_dma source(%dma_start3A_303 : memref<365x128xf32, #tpu.memory_space<vmem_shared>>) target(%arg10 : memref<64x128xf32, #tpu.memory_space<vmem>>) offsets(%dma_start3A_300 : memref<64xi32, #tpu.memory_space<vmem>>) semaphore(%arg19 : memref<!tpu.dma_semaphore, #tpu.memory_space<semaphore_mem>>)
      } else {
      }
      %mul3A_258 = arith.constant 64 : i32
      %mul3A_259 = arith.muli %add3A_244, %mul3A_258 : i32
      %add3A_260 = arith.addi %mul3A_2, %mul3A_259 : i32
      %multiple_of3A_261 = tpu.assume_multiple %add3A_260, 8 : i32
      %dma_start3A_262 = arith.constant 0 : i32
      %dma_start3A_263 = tpu.memref_slice %arg4[%multiple_of3A_261, %dma_start3A_262] : memref<819200x128xf32, #tpu.memory_space<hbm>> -> memref<64x128xf32, #tpu.memory_space<hbm>>
      %dma_start3A_264 = arith.constant 0 : i32
      %dma_start3A_265 = tpu.memref_slice %arg4[%multiple_of3A_261, %dma_start3A_264] : memref<819200x128xf32, #tpu.memory_space<hbm>> -> memref<64x128xf32, #tpu.memory_space<hbm>>
      tpu.enqueue_dma source(%arg12 : memref<64x128xf32, #tpu.memory_space<vmem>>) target(%dma_start3A_265 : memref<64x128xf32, #tpu.memory_space<hbm>>) target_semaphore(%arg29 : memref<!tpu.dma_semaphore, #tpu.memory_space<semaphore_mem>>)
      %mul3A_266 = arith.constant 8 : i32
      %mul3A_267 = arith.muli %mul3A_266, %scan3A_91 : i32
      %add3A_268 = arith.constant 7 : i32
      %add3A_269 = arith.addi %mul3A_267, %add3A_268 : i32
      %dma_wait3A_270 = arith.constant 0 : i32
      %dma_wait3A_271 = arith.constant 0 : i32
      %dma_wait3A_272 = tpu.memref_slice %arg4[%dma_wait3A_270, %dma_wait3A_271] : memref<819200x128xf32, #tpu.memory_space<hbm>> -> memref<64x128xf32, #tpu.memory_space<hbm>>
      %dma_wait3A_273 = arith.constant 0 : i32
      %dma_wait3A_274 = arith.constant 0 : i32
      %dma_wait3A_275 = tpu.memref_slice %arg4[%dma_wait3A_273, %dma_wait3A_274] : memref<819200x128xf32, #tpu.memory_space<hbm>> -> memref<64x128xf32, #tpu.memory_space<hbm>>
      tpu.wait_dma2 semaphore(%arg22 : memref<!tpu.dma_semaphore, #tpu.memory_space<semaphore_mem>>) src(%dma_wait3A_275 : memref<64x128xf32, #tpu.memory_space<hbm>>) dst(%arg13 : memref<64x128xf32, #tpu.memory_space<vmem>>)
      %add3A_276 = arith.constant 6 : i32
      %add3A_277 = arith.addi %add3A_269, %add3A_276 : i32
      %lt3A_278 = arith.constant 400 : i32
      %lt3A_279 = arith.cmpi slt, %add3A_277, %lt3A_278 : i32
      %convert_element_type3A_280 = arith.extui %lt3A_279 : i1 to i32
      %cond3A_281 = arith.constant 0 : i32
      %cond3A_282 = arith.cmpi ne, %convert_element_type3A_280, %cond3A_281 : i32
      scf.if %cond3A_282 {
        %ge3A = arith.constant 2 : i32
        %ge3A_291 = arith.cmpi sge, %add3A_269, %ge3A : i32
        %convert_element_type3A_292 = arith.extui %ge3A_291 : i1 to i32
        %cond3A_293 = arith.constant 0 : i32
        %cond3A_294 = arith.cmpi ne, %convert_element_type3A_292, %cond3A_293 : i32
        scf.if %cond3A_294 {
          %dma_wait3A_304 = arith.constant 0 : i32
          %dma_wait3A_305 = arith.constant 0 : i32
          %dma_wait3A_306 = tpu.memref_slice %arg4[%dma_wait3A_304, %dma_wait3A_305] : memref<819200x128xf32, #tpu.memory_space<hbm>> -> memref<64x128xf32, #tpu.memory_space<hbm>>
          %dma_wait3A_307 = arith.constant 0 : i32
          %dma_wait3A_308 = arith.constant 0 : i32
          %dma_wait3A_309 = tpu.memref_slice %arg4[%dma_wait3A_307, %dma_wait3A_308] : memref<819200x128xf32, #tpu.memory_space<hbm>> -> memref<64x128xf32, #tpu.memory_space<hbm>>
          tpu.wait_dma2 semaphore(%arg28 : memref<!tpu.dma_semaphore, #tpu.memory_space<semaphore_mem>>) src(%arg11 : memref<64x128xf32, #tpu.memory_space<vmem>>) dst(%dma_wait3A_309 : memref<64x128xf32, #tpu.memory_space<hbm>>)
        } else {
        }
        %add3A_295 = arith.constant 6 : i32
        %add3A_296 = arith.addi %add3A_269, %add3A_295 : i32
        %mul3A_297 = arith.constant 64 : i32
        %mul3A_298 = arith.muli %add3A_296, %mul3A_297 : i32
        %multiple_of3A_299 = tpu.assume_multiple %mul3A_298, 8 : i32
        %dma_start3A_300 = tpu.memref_slice %arg5[%multiple_of3A_299] : memref<25600xi32, #tpu.memory_space<vmem>> -> memref<64xi32, #tpu.memory_space<vmem>>
        %dma_start3A_301 = arith.constant 0 : i32
        %dma_start3A_302 = arith.constant 0 : i32
        %dma_start3A_303 = tpu.memref_slice %arg14[%dma_start3A_301, %dma_start3A_302] : memref<365x128xf32, #tpu.memory_space<vmem_shared>> -> memref<365x128xf32, #tpu.memory_space<vmem_shared>>
        tpu.enqueue_indirect_dma source(%dma_start3A_303 : memref<365x128xf32, #tpu.memory_space<vmem_shared>>) target(%arg11 : memref<64x128xf32, #tpu.memory_space<vmem>>) offsets(%dma_start3A_300 : memref<64xi32, #tpu.memory_space<vmem>>) semaphore(%arg20 : memref<!tpu.dma_semaphore, #tpu.memory_space<semaphore_mem>>)
      } else {
      }
      %mul3A_283 = arith.constant 64 : i32
      %mul3A_284 = arith.muli %add3A_269, %mul3A_283 : i32
      %add3A_285 = arith.addi %mul3A_2, %mul3A_284 : i32
      %multiple_of3A_286 = tpu.assume_multiple %add3A_285, 8 : i32
      %dma_start3A_287 = arith.constant 0 : i32
      %dma_start3A_288 = tpu.memref_slice %arg4[%multiple_of3A_286, %dma_start3A_287] : memref<819200x128xf32, #tpu.memory_space<hbm>> -> memref<64x128xf32, #tpu.memory_space<hbm>>
      %dma_start3A_289 = arith.constant 0 : i32
      %dma_start3A_290 = tpu.memref_slice %arg4[%multiple_of3A_286, %dma_start3A_289] : memref<819200x128xf32, #tpu.memory_space<hbm>> -> memref<64x128xf32, #tpu.memory_space<hbm>>
      tpu.enqueue_dma source(%arg13 : memref<64x128xf32, #tpu.memory_space<vmem>>) target(%dma_start3A_290 : memref<64x128xf32, #tpu.memory_space<hbm>>) target_semaphore(%arg30 : memref<!tpu.dma_semaphore, #tpu.memory_space<semaphore_mem>>)
    }
    %scan3A_43 = arith.constant 50 : i32
    %dma_wait3A = arith.constant 0 : i32
    %dma_wait3A_44 = arith.constant 0 : i32
    %dma_wait3A_45 = tpu.memref_slice %arg4[%dma_wait3A, %dma_wait3A_44] : memref<819200x128xf32, #tpu.memory_space<hbm>> -> memref<64x128xf32, #tpu.memory_space<hbm>>
    %dma_wait3A_46 = arith.constant 0 : i32
    %dma_wait3A_47 = arith.constant 0 : i32
    %dma_wait3A_48 = tpu.memref_slice %arg4[%dma_wait3A_46, %dma_wait3A_47] : memref<819200x128xf32, #tpu.memory_space<hbm>> -> memref<64x128xf32, #tpu.memory_space<hbm>>
    tpu.wait_dma2 semaphore(%arg23 : memref<!tpu.dma_semaphore, #tpu.memory_space<semaphore_mem>>) src(%arg6 : memref<64x128xf32, #tpu.memory_space<vmem>>) dst(%dma_wait3A_48 : memref<64x128xf32, #tpu.memory_space<hbm>>)
    %dma_wait3A_49 = arith.constant 0 : i32
    %dma_wait3A_50 = arith.constant 0 : i32
    %dma_wait3A_51 = tpu.memref_slice %arg4[%dma_wait3A_49, %dma_wait3A_50] : memref<819200x128xf32, #tpu.memory_space<hbm>> -> memref<64x128xf32, #tpu.memory_space<hbm>>
    %dma_wait3A_52 = arith.constant 0 : i32
    %dma_wait3A_53 = arith.constant 0 : i32
    %dma_wait3A_54 = tpu.memref_slice %arg4[%dma_wait3A_52, %dma_wait3A_53] : memref<819200x128xf32, #tpu.memory_space<hbm>> -> memref<64x128xf32, #tpu.memory_space<hbm>>
    tpu.wait_dma2 semaphore(%arg24 : memref<!tpu.dma_semaphore, #tpu.memory_space<semaphore_mem>>) src(%arg7 : memref<64x128xf32, #tpu.memory_space<vmem>>) dst(%dma_wait3A_54 : memref<64x128xf32, #tpu.memory_space<hbm>>)
    %dma_wait3A_55 = arith.constant 0 : i32
    %dma_wait3A_56 = arith.constant 0 : i32
    %dma_wait3A_57 = tpu.memref_slice %arg4[%dma_wait3A_55, %dma_wait3A_56] : memref<819200x128xf32, #tpu.memory_space<hbm>> -> memref<64x128xf32, #tpu.memory_space<hbm>>
    %dma_wait3A_58 = arith.constant 0 : i32
    %dma_wait3A_59 = arith.constant 0 : i32
    %dma_wait3A_60 = tpu.memref_slice %arg4[%dma_wait3A_58, %dma_wait3A_59] : memref<819200x128xf32, #tpu.memory_space<hbm>> -> memref<64x128xf32, #tpu.memory_space<hbm>>
    tpu.wait_dma2 semaphore(%arg25 : memref<!tpu.dma_semaphore, #tpu.memory_space<semaphore_mem>>) src(%arg8 : memref<64x128xf32, #tpu.memory_space<vmem>>) dst(%dma_wait3A_60 : memref<64x128xf32, #tpu.memory_space<hbm>>)
    %dma_wait3A_61 = arith.constant 0 : i32
    %dma_wait3A_62 = arith.constant 0 : i32
    %dma_wait3A_63 = tpu.memref_slice %arg4[%dma_wait3A_61, %dma_wait3A_62] : memref<819200x128xf32, #tpu.memory_space<hbm>> -> memref<64x128xf32, #tpu.memory_space<hbm>>
    %dma_wait3A_64 = arith.constant 0 : i32
    %dma_wait3A_65 = arith.constant 0 : i32
    %dma_wait3A_66 = tpu.memref_slice %arg4[%dma_wait3A_64, %dma_wait3A_65] : memref<819200x128xf32, #tpu.memory_space<hbm>> -> memref<64x128xf32, #tpu.memory_space<hbm>>
    tpu.wait_dma2 semaphore(%arg26 : memref<!tpu.dma_semaphore, #tpu.memory_space<semaphore_mem>>) src(%arg9 : memref<64x128xf32, #tpu.memory_space<vmem>>) dst(%dma_wait3A_66 : memref<64x128xf32, #tpu.memory_space<hbm>>)
    %dma_wait3A_67 = arith.constant 0 : i32
    %dma_wait3A_68 = arith.constant 0 : i32
    %dma_wait3A_69 = tpu.memref_slice %arg4[%dma_wait3A_67, %dma_wait3A_68] : memref<819200x128xf32, #tpu.memory_space<hbm>> -> memref<64x128xf32, #tpu.memory_space<hbm>>
    %dma_wait3A_70 = arith.constant 0 : i32
    %dma_wait3A_71 = arith.constant 0 : i32
    %dma_wait3A_72 = tpu.memref_slice %arg4[%dma_wait3A_70, %dma_wait3A_71] : memref<819200x128xf32, #tpu.memory_space<hbm>> -> memref<64x128xf32, #tpu.memory_space<hbm>>
    tpu.wait_dma2 semaphore(%arg27 : memref<!tpu.dma_semaphore, #tpu.memory_space<semaphore_mem>>) src(%arg10 : memref<64x128xf32, #tpu.memory_space<vmem>>) dst(%dma_wait3A_72 : memref<64x128xf32, #tpu.memory_space<hbm>>)
    %dma_wait3A_73 = arith.constant 0 : i32
    %dma_wait3A_74 = arith.constant 0 : i32
    %dma_wait3A_75 = tpu.memref_slice %arg4[%dma_wait3A_73, %dma_wait3A_74] : memref<819200x128xf32, #tpu.memory_space<hbm>> -> memref<64x128xf32, #tpu.memory_space<hbm>>
    %dma_wait3A_76 = arith.constant 0 : i32
    %dma_wait3A_77 = arith.constant 0 : i32
    %dma_wait3A_78 = tpu.memref_slice %arg4[%dma_wait3A_76, %dma_wait3A_77] : memref<819200x128xf32, #tpu.memory_space<hbm>> -> memref<64x128xf32, #tpu.memory_space<hbm>>
    tpu.wait_dma2 semaphore(%arg28 : memref<!tpu.dma_semaphore, #tpu.memory_space<semaphore_mem>>) src(%arg11 : memref<64x128xf32, #tpu.memory_space<vmem>>) dst(%dma_wait3A_78 : memref<64x128xf32, #tpu.memory_space<hbm>>)
    %dma_wait3A_79 = arith.constant 0 : i32
    %dma_wait3A_80 = arith.constant 0 : i32
    %dma_wait3A_81 = tpu.memref_slice %arg4[%dma_wait3A_79, %dma_wait3A_80] : memref<819200x128xf32, #tpu.memory_space<hbm>> -> memref<64x128xf32, #tpu.memory_space<hbm>>
    %dma_wait3A_82 = arith.constant 0 : i32
    %dma_wait3A_83 = arith.constant 0 : i32
    %dma_wait3A_84 = tpu.memref_slice %arg4[%dma_wait3A_82, %dma_wait3A_83] : memref<819200x128xf32, #tpu.memory_space<hbm>> -> memref<64x128xf32, #tpu.memory_space<hbm>>
    tpu.wait_dma2 semaphore(%arg29 : memref<!tpu.dma_semaphore, #tpu.memory_space<semaphore_mem>>) src(%arg12 : memref<64x128xf32, #tpu.memory_space<vmem>>) dst(%dma_wait3A_84 : memref<64x128xf32, #tpu.memory_space<hbm>>)
    %dma_wait3A_85 = arith.constant 0 : i32
    %dma_wait3A_86 = arith.constant 0 : i32
    %dma_wait3A_87 = tpu.memref_slice %arg4[%dma_wait3A_85, %dma_wait3A_86] : memref<819200x128xf32, #tpu.memory_space<hbm>> -> memref<64x128xf32, #tpu.memory_space<hbm>>
    %dma_wait3A_88 = arith.constant 0 : i32
    %dma_wait3A_89 = arith.constant 0 : i32
    %dma_wait3A_90 = tpu.memref_slice %arg4[%dma_wait3A_88, %dma_wait3A_89] : memref<819200x128xf32, #tpu.memory_space<hbm>> -> memref<64x128xf32, #tpu.memory_space<hbm>>
    tpu.wait_dma2 semaphore(%arg30 : memref<!tpu.dma_semaphore, #tpu.memory_space<semaphore_mem>>) src(%arg13 : memref<64x128xf32, #tpu.memory_space<vmem>>) dst(%dma_wait3A_90 : memref<64x128xf32, #tpu.memory_space<hbm>>)
    return
  }
}

</mosaic_0001>

<sc_bundles>
// kernel: _gather_rows.3.cloned.1.call-start
scs
__scs_entry_jumppad:
0x0: {  	(pc) =	sbr.rel $0x88, $3  }
0x1: {  	(tag) =	ssettag $0x0;
	lr =	simm.s32 $0x1  }
0x2: {  	[smem:$0x3F9F] =	sst lr;
	_ =	strace $0xD0000000  }
0x3: {  	_ = 	snop  }
0x4: {  	_ = 	snop  }
0x5: {  	_ = 	snop  }
0x6: {  	_ = 	snop  }
0x7: {  	_ = 	snop  }
__scs_overlays_trampoline_lowered:
0x8: {  	[smem:$0x3FAE] =	sst s0  }
0x9: {  	[smem:$0x3FAF] =	sst s1  }
0xa: {  	[smem:$0x3FB0] =	sst s2  }
0xb: {  	[smem:$0x3FB1] =	sst s3  }
0xc: {  	[smem:$0x3FB2] =	sst s4  }
0xd: {  	[smem:$0x3FB3] =	sst s5  }
0xe: {  	[smem:$0x3FB4] =	sst s6  }
0xf: {  	[smem:$0x3FB5] =	sst s7  }
0x10: {  	[smem:$0x3FB6] =	sst s8  }
0x11: {  	[smem:$0x3FB7] =	sst s9;
	s0 =	simm.s32 @!p0 $0x0  }
0x12: {  	s1 =	sld [smem:$0x3F9D];
	s0 =	simm.s32 @p0 $0x1  }
0x13: {  	[smem:$0x3FB8] =	sst s0;
	s0 =	simm.s32 @!p1 $0x0  }
0x14: {  	s2 =	sld [smem:$0x3F9C];
	s0 =	simm.s32 @p1 $0x1  }
0x15: {  	[smem:$0x3FB9] =	sst s0;
	s0 =	simm.s32 @!p2 $0x0  }
0x16: {  	s3 =	sld [smem:$0x3FDB];
	s0 =	simm.s32 @p2 $0x1  }
0x17: {  	s4 =	simm.s32 $0x1BF5;
	[smem:$0x3FBB] =	sst s0  }
0x18: {  	s0 =	sld [smem:$0x3F9E];
	_ =	swait.ge [sflag:s4], $0x0  }
0x19: {  	s7 =	sld [smem:$0x3F9F]  }
0x1a: {  	s8 =	sadd.s32 $0xFFFFE003, lr  }
0x1b: {  	s9 =	sadd.s32 $0xFFFFFEF7, lr;
	s5 =	simm.s32 $0xFFFFFFFF;
	p2 =	slt.u32 s8, $0xFFFFF086  }
0x1c: {  	p1 =	slt.u32 s9, $0xF7A;
	s5 =	simm.s32 @!p2 $0x0  }
0x1d: {  	s5 =	simm.s32 @p1 $0x1;
	p0 =	seq.s32 s7, s2  }
0x1e: {  	s7 =	smul.u32 @!p0 $0xF7A, s2;
	p2 =	seq.s32 @!p0 s5, $0x0  }
0x1f: {  	s9 =	smul.u32 $0xF7A, s1;
	s8 =	simm.s32 @!p0 $0x1BF5;
	p2 =	por !p2, p0  }
0x20: {  	[sflag:s8] =	ssyncset.s32 @!p0 $0xFFFFF086;
	s6 =	sadd.s32 @!p0 s3, s7;
	s7 =	simm.s32 @!p0 $0x108  }
0x21: {  	s3 =	sadd.s32 s3, s9;
	s6 =	sadd.s32 @!p0 $0x88, s6;
	s7 =	simm.s32 @p2 $0x1082  }
0x22: {  	[simem:s7], [sflag:s8] =	dma.local @!p0 [hbm:s6], $0xF7A  }
0x23: {  	s9 =	sor.u32 $0xD0000000, s2;
	s6 =	simm.s32 $0x108;
	_ =	swait.ge @!p0 [sflag:s8], $0x0  }
0x24: {  	s3 =	sadd.s32 $0x88, s3;
	s6 =	simm.s32 @!p1 $0x1082;
	[sflag:s4] =	ssyncset.s32 $0xFFFFF086  }
0x25: {  	[simem:s6], [sflag:s4] =	dma.local [hbm:s3], $0xF7A  }
0x26: {  	[smem:$0x3F9F] =	sst s1;
	(tag) =	ssettag s2;
	_ =	strace s9  }
0x27: {  	s1 =	sld [smem:$0x3FAF]  }
0x28: {  	s2 =	sld [smem:$0x3FB0]  }
0x29: {  	s4 =	sld [smem:$0x3FB2]  }
0x2a: {  	p0 =	seq.s32 s5, $0x0;
	s5 =	sld [smem:$0x3FB3]  }
0x2b: {  	s6 =	sld [smem:$0x3FB4]  }
0x2c: {  	s7 =	sld [smem:$0x3FB5]  }
0x2d: {  	s3 =	simm.s32 $0x108;
	s8 =	sld [smem:$0x3FB6]  }
0x2e: {  	s3 =	simm.s32 @!p0 $0x1082;
	s9 =	sld [smem:$0x3FB7]  }
0x2f: {  	lr =	sadd.s32 s0, s3;
	s0 =	sld [smem:$0x3FAE]  }
0x30: {  	s3 =	sld [smem:$0x3FB1]  }
0x31: {  	[smem:$0x3FBA] =	sst s10  }
0x32: {  	s10 =	sld [smem:$0x3FB8];
	_ =	sdelay $0x3  }
0x33: {  	p0 =	seq.s32 s10, $0x1;
	s10 =	sld [smem:$0x3FBA];
	_ =	sdelay $0x3  }
0x34: {  	[smem:$0x3FBA] =	sst s10  }
0x35: {  	s10 =	sld [smem:$0x3FB9];
	_ =	sdelay $0x3  }
0x36: {  	p1 =	seq.s32 s10, $0x1;
	s10 =	sld [smem:$0x3FBA];
	_ =	sdelay $0x3  }
0x37: {  	[smem:$0x3FBA] =	sst s10  }
0x38: {  	s10 =	sld [smem:$0x3FBB]  }
0x39: {  	_ = 	snop;
	(pc) =	sbr.ind lr, $3  }
0x3a: {  	_ = 	snop  }
0x3b: {  	_ = 	snop  }
0x3c: {  	p2 =	seq.s32 s10, $0x1;
	s10 =	sld [smem:$0x3FBA]  }
0x3d: {  	_ =	shalt  }
0x3e: {  	_ =	shalt  }
0x3f: {  	_ =	shalt  }
0x40: {  	_ =	shalt  }
0x41: {  	_ =	shalt  }
0x42: {  	_ =	shalt  }
0x43: {  	_ =	shalt  }
0x44: {  	_ =	shalt  }
0x45: {  	_ =	shalt  }
0x46: {  	_ =	shalt  }
0x47: {  	_ =	shalt  }
0x48: {  	_ =	shalt  }
0x49: {  	_ =	shalt  }
0x4a: {  	_ =	shalt  }
0x4b: {  	_ =	shalt  }
0x4c: {  	_ =	shalt  }
0x4d: {  	_ =	shalt  }
0x4e: {  	_ =	shalt  }
0x4f: {  	_ =	shalt  }
0x50: {  	_ =	shalt  }
0x51: {  	_ =	shalt  }
0x52: {  	_ =	shalt  }
0x53: {  	_ =	shalt  }
0x54: {  	_ =	shalt  }
0x55: {  	_ =	shalt  }
0x56: {  	_ =	shalt  }
0x57: {  	_ =	shalt  }
0x58: {  	_ =	shalt  }
0x59: {  	_ =	shalt  }
0x5a: {  	_ =	shalt  }
0x5b: {  	_ =	shalt  }
0x5c: {  	_ =	shalt  }
0x5d: {  	_ =	shalt  }
0x5e: {  	_ =	shalt  }
0x5f: {  	_ =	shalt  }
0x60: {  	_ =	shalt  }
0x61: {  	_ =	shalt  }
0x62: {  	_ =	shalt  }
0x63: {  	_ =	shalt  }
0x64: {  	_ =	shalt  }
0x65: {  	_ =	shalt  }
0x66: {  	_ =	shalt  }
0x67: {  	_ =	shalt  }
0x68: {  	_ =	shalt  }
0x69: {  	_ =	shalt  }
0x6a: {  	_ =	shalt  }
0x6b: {  	_ =	shalt  }
0x6c: {  	_ =	shalt  }
0x6d: {  	_ =	shalt  }
0x6e: {  	_ =	shalt  }
0x6f: {  	_ =	shalt  }
0x70: {  	_ =	shalt  }
0x71: {  	_ =	shalt  }
0x72: {  	_ =	shalt  }
0x73: {  	_ =	shalt  }
0x74: {  	_ =	shalt  }
0x75: {  	_ =	shalt  }
0x76: {  	_ =	shalt  }
0x77: {  	_ =	shalt  }
0x78: {  	_ =	shalt  }
0x79: {  	_ =	shalt  }
0x7a: {  	_ =	shalt  }
0x7b: {  	_ =	shalt  }
0x7c: {  	_ =	shalt  }
0x7d: {  	_ =	shalt  }
0x7e: {  	_ =	shalt  }
0x7f: {  	_ =	shalt  }
0x80: {  	_ =	shalt  }
0x81: {  	_ =	shalt  }
0x82: {  	_ =	shalt  }
0x83: {  	_ =	shalt  }
0x84: {  	_ =	shalt  }
0x85: {  	_ =	shalt  }
0x86: {  	_ =	shalt  }
0x87: {  	_ =	shalt  }
.Lfunc_end0:
.L_simem_size_0:
called_computation_lowered:
.L_overlay_start_0:
0x88: {  	s2 =	sld [smem:$0x3FD9]  }
0x89: {  	s3 =	sld [smem:$0x3FFE];
	_ =	sdelay $0x1  }
0x8a: {  	s1 =	srdreg.scid  }
0x8b: {  	s0 =	sand.u32 $0x1, s1  }
0x8c: {  	s18 =	sshll.u32 s0, $0xA;
	s2 =	sadd.s32 s3, s2  }
0x8d: {  	s2 =	sadd.s32 s2, s18  }
0x8e: {  	[smem:$0x3FC6] =	sst s2  }
0x8f: {  	_ = 	snop  }
0x90: {  	s2 =	sld [smem:$0x3FC9]  }
0x91: {  	s19 =	sld [smem:$0x3FC8]  }
0x92: {  	s4 =	sld [smem:$0x3FD0];
	(tm) =	ssettm $0x1  }
0x93: {  	s5 =	sld [smem:$0x3FFB];
	_ =	sdelay $0x3  }
0x94: {  	_ =	strace s5  }
0x95: {  	s5 =	sld [smem:$0x3FFC];
	_ =	sdelay $0x3  }
0x96: {  	_ =	strace s5  }
0x97: {  	s5 =	sld [smem:$0x3FFD];
	_ =	sdelay $0x3  }
0x98: {  	_ =	strace s5  }
0x99: {  	_ =	strace $0x8FFFFFFF  }
0x9a: {  	s20 =	sld [smem:$0x3FDB];
	_ =	sdelay $0x1  }
0x9b: {  	s6 =	simm.s32 $_scs_section_size  }
0x9c: {  	s7 =	simm.s32 $_size__tile_overlayer_lowered;
	s8 =	simm.s32 $_tile_overlayer_lowered  }
0x9d: {  	s23 =	simm.s32 $0x1BFF;
	s22 =	sshll.u32 s8, $0x1;
	s5 =	sadd.s32 s6, s20  }
0x9e: {  	s9 =	simm.s32 $0x0;
	s21 =	sshll.u32 s7, $0x1;
	s7 =	sadd.s32 s22, s5  }
0x9f: {  	[timem:s9], [sflag:s23] =	dma.local [hbm:s7], s21  }
0xa0: {  	_ =	swait.ge [sflag:s23], s21  }
0xa1: {  	s6 =	ssub.s32 $0x0, s21;
	[sflag:s23] =	ssyncset.done $0x0  }
0xa2: {  	[sflag:s23] =	ssyncadd.s32 s6;
	_ =	sdelay $0x1  }
0xa3: {  	s24 =	simm.s32 $0x1B8B  }
0xa4: {  	_ =	swait.ge [sflag:s24], $0x1  }
0xa5: {  	[sflag:s24] =	ssyncset.done $0x0  }
0xa6: {  	s25 =	simm.s32 $0x1B8E;
	[sflag:s24] =	ssyncadd.s32 $0xFFFFFFFF  }
0xa7: {  	s26 =	simm.s32 $execute0_lowered;
	[smem:$0x3FD2] =	sst s25  }
0xa8: {  	s6 =	sshll.u32 s26, $0x1;
	_ =	strace $0x80000046;
	[dreg:$0x1] =	wrdreg $0xFFFFFFFF  }
0xa9: {  	s28 =	simm.s32 $_size_execute0_lowered;
	s5 =	sadd.s32 s5, s6;
	[dreg:$0x0] =	wrdreg $0x0  }
0xaa: {  	s6 =	sshll.u32 s28, $0x1;
	[dreg:$0x2] =	wrdreg s5  }
0xab: {  	[dreg:$0x3] =	wrdreg s6  }
0xac: {  	[dreg:$0x4] =	wrdreg $0xC0  }
0xad: {  	_ =	task [dreg:s9], $0x5FFFF  }
0xae: {  	[dreg:$0x1] =	wrdreg $0xFFFFFFFF  }
0xaf: {  	[dreg:$0x0] =	wrdreg $0x60  }
0xb0: {  	[dreg:$0x2] =	wrdreg s2  }
0xb1: {  	[dreg:$0x3] =	wrdreg s19  }
0xb2: {  	[dreg:$0x4] =	wrdreg s4  }
0xb3: {  	[dreg:$0x5] =	wrdreg $0x164000  }
0xb4: {  	[dreg:$0x6] =	wrdreg $0x9  }
0xb5: {  	_ =	task.clear_ibuf [dreg:s9], $0x7FFFF;
	_ =	strace $0x90000046  }
0xb6: {  	s29 =	simm.s32 $0x9;
	_ =	strace $0x80000048  }
0xb7: {  	_ =	swait.ge [sflag:s29], $0x1  }
0xb8: {  	[sflag:s29] =	ssyncadd.s32 $0xFFFFFFFF  }
0xb9: {  	_ =	strace $0x90000048  }
0xba: {  	_ =	sfence  }
0xbb: {  	s30 =	sld [smem:$0x0];
	_ =	sdelay $0x2  }
0xbc: {  	s31 =	sshll.u32 s1, $0xD;
	s1 =	sshrl.u32 s1, $0x2  }
0xbd: {  	s3 =	sand.u32 $0x4000, s31;
	s1 =	sadd.s32 s1, s30  }
0xbe: {  	s0 =	sor.u32 s3, s0;
	s1 =	sshll.u32 s1, $0x11  }
0xbf: {  	s0 =	sor.u32 s1, s0  }
0xc0: {  	s0 =	sadd.s32 $0x8F2B, s0  }
0xc1: {  	[sflag:s0] =	ssyncadd.remote.s32 $0x1  }
0xc2: {  	_ =	sfence.sel $0xFFFF  }
0xc3: {  	[dreg:$0x0] =	wrdreg $0xFFFFFFFF;
	(pc) =	sbr.abs _section_cstart, $3  }
0xc4: {  	[dreg:$0x1] =	wrdreg $0xFFFFFFFF  }
0xc5: {  	_ =	task.clear_ibuf [dreg:s9], $0x2FFFF;
	_ =	strace $0x9FFFFFFF  }
0xc6: {  	(tm) =	ssettm $0x7FFFFFFF  }
0xc7: {  	_ =	shalt  }
tec
execute0_lowered:
.L_overlay_start_1:
0x0: {  	(tag) =	ssettag $0x1  }
0x1: {  	s0 =	rddreg [dreg:$0x0]  }
0x2: {  	s1 =	srdreg.scid;
	s5 =	rddreg [dreg:$0x2]  }
0x3: {  	s2 =	stileid.u32;
	s3 =	rddreg [dreg:$0x3];
	s12 =	simm.s32 $0x8400  }
0x4: {  	s16 =	simm.s32 $0xC400;
	s20 =	simm.s32 $0x10400;
	s21 =	simm.s32 $0x1  }
0x5: {  	s28 =	simm.s32 $0x7;
	s29 =	simm.s32 $0x8;
	s9 =	smul.u32 $0x640000, s2  }
0x6: {  	s1 =	sand.u32 $0x1, s1;
	s4 =	sshll.u32 s2, $0x1;
	s24 =	smul.u32 $0xC8000, s2  }
0x7: {  	p0 =	sne.s32 s2, $0x0;
	s6 =	sor.u32 s1, s4;
	s11 =	smul.u32 $0x320000, s1  }
0x8: {  	s4 =	simm.s32 $0x0;
	s8 =	ssub.s32 $0x2, s1;
	s1 =	smul.u32 $0x64000, s1  }
0x9: {  	s2 =	simm.s32 $0x0;
	s7 =	smul.u32 $0x6400, s6;
	[smem:$0x7FF] =	sst s4  }
0xa: {  	s6 =	smul.u32 $0x64000, s6;
	s10 =	sshrl.u32 s8, $0x1;
	_ =	strace $0x80000047  }
0xb: {  	s8 =	ssub.s32 s8, s10;
	s9 =	sadd.s32 s11, s9;
	s10 =	simm.s32 $0x40  }
0xc: {  	s11 =	simm.s32 $0x6400;
	s6 =	sadd.s32 s5, s6;
	s23 =	sshrl.u32 s9, $0x3  }
0xd: {  	s7 =	sshrl.u32 s7, $0x3;
	s30 =	smax.u32 s8, $0x1;
	[dreg:$0x7] =	wrdreg s23  }
0xe: {  	s25 =	sor.u32 $0xE000, s9;
	s22 =	sadd.s32 $0x62800, s6;
	[dreg:$0xb] =	wrdreg s30  }
0xf: {  	s26 =	sor.u32 $0xC000, s9;
	s0 =	sadd.s32 s0, s7;
	[dreg:$0x5] =	wrdreg s22  }
0x10: {  	s6 =	sadd.s32 $0x63000, s6;
	s31 =	sshrl.u32 s26, $0x3;
	[dreg:$0xa] =	wrdreg s0  }
0x11: {  	s7 =	sadd.s32 s1, s24;
	s23 =	simm.s32 $0x2;
	[dreg:$0x6] =	wrdreg s6  }
0x12: {  	s24 =	simm.s32 $0x14400;
	s6 =	sshrl.u32 s25, $0x3;
	[dreg:$0x9] =	wrdreg s31  }
0x13: {  	s26 =	simm.s32 $0x5;
	s0 =	sshrl.u32 @!p0 s3, $0x3;
	[dreg:$0x8] =	wrdreg s6  }
0x14: {  	s22 =	simm.s32 $0x12400;
	s25 =	simm.s32 $0x3;
	[dreg:$0xc] =	wrdreg s0  }
.LBB2_1:
0x15: {  	[dreg:$0xd] =	wrdreg s2  }
0x16: {  	s1 =	rddreg [dreg:$0x1]  }
0x17: {  	s0 =	simm.s32 @!p0 $0x1C11;
	s2 =	rddreg [dreg:$0xc]  }
0x18: {  	[spmem:s2], [sflag:s0] =	dma.local @!p0 [hbm:s1], $0x16D0  }
0x19: {  	s0 =	simm.s32 @!p0 $0x11  }
0x1a: {  	_ =	swait.ge @!p0 [sflag:s0], $0x16D0  }
0x1b: {  	[sflag:s0] =	ssyncset.done @!p0 $0x0  }
0x1c: {  	[sflag:s0] =	ssyncadd.s32 @!p0 $0xFFFFE930  }
0x1d: {  	[bflag:$0x0] =	sbarrier.arrive $0xFFFF  }
0x1e: {  	s19 =	simm.s32 $0x11;
	s18 =	rddreg [dreg:$0xa]  }
0x1f: {  	[tilespmem:s4], [sflag:$0x11] =	stream.linear.gather [hbm4b:s18+s4], $0x6400, $0x38;
	[tilespmem:$0x16F68] =	vst v63  }
0x20: {  	_ =	swait.ge [sflag:s19], $0x6400  }
0x21: {  	[sflag:s19] =	ssyncset.done $0x0  }
0x22: {  	[sflag:s19] =	ssyncadd.s32 $0xFFFF9C00  }
0x23: {  	[tilespmem:s11], [sflag:$0x1] =	stream.indirect.gather [spmem:s3], $0x80, s4, s10, $0xb8;
	[tilespmem:$0x16F68] =	vst v63  }
0x24: {  	_ = 	snop  }
0x25: {  	[tilespmem:s12], [sflag:$0x2] =	stream.indirect.gather [spmem:s3], $0x80, s10, s10, $0xb8;
	[tilespmem:$0x16F68] =	vst v63  }
0x26: {  	s30 =	simm.s32 $0x80;
	s31 =	simm.s32 $0xA400  }
0x27: {  	[tilespmem:s31], [sflag:$0x3] =	stream.indirect.gather [spmem:s3], $0x80, s30, s10, $0xb8;
	[tilespmem:$0x16F68] =	vst v63  }
0x28: {  	s1 =	simm.s32 $0xC0  }
0x29: {  	[tilespmem:s16], [sflag:$0x4] =	stream.indirect.gather [spmem:s3], $0x80, s1, s10, $0xb8;
	[tilespmem:$0x16F68] =	vst v63  }
0x2a: {  	s5 =	simm.s32 $0xE400;
	s2 =	simm.s32 $0x100  }
0x2b: {  	[tilespmem:s5], [sflag:$0x5] =	stream.indirect.gather [spmem:s3], $0x80, s2, s10, $0xb8;
	[tilespmem:$0x16F68] =	vst v63  }
0x2c: {  	s6 =	simm.s32 $0x140  }
0x2d: {  	[tilespmem:s20], [sflag:$0x6] =	stream.indirect.gather [spmem:s3], $0x80, s6, s10, $0xb8;
	[tilespmem:$0x16F68] =	vst v63  }
0x2e: {  	_ =	swait.ge [sflag:s21], $0x2000  }
0x2f: {  	p1 =	por $0x1, $0x1;
	[sflag:s21] =	ssyncset.done $0x0  }
0x30: {  	s0 =	simm.s32 @!p1 $0xF;
	[sflag:s21] =	ssyncadd.s32 $0xFFFFE000  }
0x31: {  	_ =	swait.ge @!p1 [sflag:s0], $0x2000  }
0x32: {  	[sflag:s0] =	ssyncset.done @!p1 $0x0  }
0x33: {  	s9 =	simm.s32 $0x180;
	s8 =	rddreg [dreg:$0x7];
	[sflag:s0] =	ssyncadd.s32 @!p1 $0xFFFFE000  }
0x34: {  	[tilespmem:s22], [sflag:$0x7] =	stream.indirect.gather [spmem:s3], $0x80, s9, s10, $0xb8;
	[tilespmem:$0x16F68] =	vst v63  }
0x35: {  	s5 =	rddreg [dreg:$0x2]  }
0x36: {  	s13 =	sadd.s32 s5, s8  }
0x37: {  	[hbm4b:s13+s4] =	stream.linear.scatter [tilespmem:s11], [sflag:$0x9], $0x2000, $0x38;
	[tilespmem:$0x16F68] =	vst v63  }
0x38: {  	_ =	swait.ge [sflag:s23], $0x2000  }
0x39: {  	[sflag:s23] =	ssyncset.done $0x0  }
0x3a: {  	s0 =	simm.s32 @!p1 $0x10;
	[sflag:s23] =	ssyncadd.s32 $0xFFFFE000  }
0x3b: {  	_ =	swait.ge @!p1 [sflag:s0], $0x2000  }
0x3c: {  	[sflag:s0] =	ssyncset.done @!p1 $0x0  }
0x3d: {  	s14 =	simm.s32 $0x1C0;
	s15 =	sadd.s32 s5, s7;
	[sflag:s0] =	ssyncadd.s32 @!p1 $0xFFFFE000  }
0x3e: {  	[tilespmem:s24], [sflag:$0x8] =	stream.indirect.gather [spmem:s3], $0x80, s14, s10, $0xb8;
	[tilespmem:$0x16F68] =	vst v63  }
0x3f: {  	s17 =	sadd.s32 $0x400, s15  }
0x40: {  	[hbm4b:s17+s4] =	stream.linear.scatter [tilespmem:s12], [sflag:$0xA], $0x2000, $0x38;
	[tilespmem:$0x16F68] =	vst v63  }
0x41: {  	p1 =	por $0x0, $0x0;
	_ =	swait.ge [sflag:s25], $0x2000  }
0x42: {  	s1 =	simm.s32 @p1 $0x0;
	s6 =	simm.s32 @p1 $0xA400;
	[sflag:s25] =	ssyncset.done $0x0  }
0x43: {  	s8 =	simm.s32 @p1 $0x4;
	s0 =	rddreg [dreg:$0x5];
	[sflag:s25] =	ssyncadd.s32 $0xFFFFE000  }
0x44: {  	[hbm4b:s0+s1] =	stream.linear.scatter @p1 [tilespmem:s6], [sflag:$0xB], $0x2000, $0x38;
	[tilespmem:$0x16F68] =	vst v63  }
0x45: {  	_ =	swait.ge @p1 [sflag:s8], $0x2000  }
0x46: {  	[sflag:s8] =	ssyncset.done @p1 $0x0  }
0x47: {  	s0 =	simm.s32 @!p1 $0x9;
	[sflag:s8] =	ssyncadd.s32 @p1 $0xFFFFE000  }
0x48: {  	s9 =	simm.s32 @!p1 $0x200;
	_ =	swait.ge @!p1 [sflag:s0], $0x2000  }
0x49: {  	s19 =	simm.s32 @!p1 $0x6400;
	s8 =	sadd.s32 @!p1 s5, s7;
	[sflag:s0] =	ssyncset.done @!p1 $0x0  }
0x4a: {  	s6 =	simm.s32 @!p1 $0x40;
	s13 =	sadd.s32 @!p1 $0x800, s8;
	[sflag:s0] =	ssyncadd.s32 @!p1 $0xFFFFE000  }
0x4b: {  	[tilespmem:s19], [sflag:$0x1] =	stream.indirect.gather @!p1 [spmem:s3], $0x80, s9, s6, $0xb8;
	[tilespmem:$0x16F68] =	vst v63  }
0x4c: {  	s0 =	simm.s32 @!p1 $0x0;
	s9 =	simm.s32 @!p1 $0xA400;
	s19 =	simm.s32 @!p1 $0x4  }
0x4d: {  	[hbm4b:s13+s0] =	stream.linear.scatter @!p1 [tilespmem:s9], [sflag:$0xB], $0x2000, $0x38;
	[tilespmem:$0x16F68] =	vst v63  }
0x4e: {  	_ =	swait.ge @!p1 [sflag:s19], $0x2000  }
0x4f: {  	[sflag:s19] =	ssyncset.done @!p1 $0x0  }
0x50: {  	s13 =	simm.s32 @!p1 $0xA;
	[sflag:s19] =	ssyncadd.s32 @!p1 $0xFFFFE000  }
0x51: {  	_ =	swait.ge @!p1 [sflag:s13], $0x2000  }
0x52: {  	[sflag:s13] =	ssyncset.done @!p1 $0x0  }
0x53: {  	s19 =	simm.s32 @!p1 $0x240;
	[sflag:s13] =	ssyncadd.s32 @!p1 $0xFFFFE000;
	s13 =	simm.s32 @!p1 $0x8400  }
0x54: {  	[tilespmem:s13], [sflag:$0x2] =	stream.indirect.gather @!p1 [spmem:s3], $0x80, s19, s6, $0xb8;
	[tilespmem:$0x16F68] =	vst v63  }
0x55: {  	s18 =	sadd.s32 $0xC00, s15  }
0x56: {  	[hbm4b:s18+s4] =	stream.linear.scatter [tilespmem:s16], [sflag:$0xC], $0x2000, $0x38;
	[tilespmem:$0x16F68] =	vst v63  }
0x57: {  	_ =	swait.ge [sflag:s26], $0x2000  }
0x58: {  	[sflag:s26] =	ssyncset.done $0x0  }
0x59: {  	s19 =	simm.s32 @p1 $0xE400;
	s13 =	rddreg [dreg:$0x6];
	[sflag:s26] =	ssyncadd.s32 $0xFFFFE000  }
0x5a: {  	[hbm4b:s13+s1] =	stream.linear.scatter @p1 [tilespmem:s19], [sflag:$0xD], $0x2000, $0x38;
	[tilespmem:$0x16F68] =	vst v63  }
0x5b: {  	s1 =	simm.s32 @p1 $0x6  }
0x5c: {  	_ =	swait.ge @p1 [sflag:s1], $0x2000  }
0x5d: {  	[sflag:s1] =	ssyncset.done @p1 $0x0  }
0x5e: {  	[sflag:s1] =	ssyncadd.s32 @p1 $0xFFFFE000;
	s1 =	simm.s32 @!p1 $0xB  }
0x5f: {  	_ =	swait.ge @!p1 [sflag:s1], $0x2000  }
0x60: {  	[sflag:s1] =	ssyncset.done @!p1 $0x0  }
0x61: {  	[sflag:s1] =	ssyncadd.s32 @!p1 $0xFFFFE000;
	s1 =	simm.s32 @!p1 $0x280  }
0x62: {  	[tilespmem:s9], [sflag:$0x3] =	stream.indirect.gather @!p1 [spmem:s3], $0x80, s1, s6, $0xb8;
	[tilespmem:$0x16F68] =	vst v63  }
0x63: {  	s1 =	sadd.s32 @!p1 $0x1000, s8;
	s8 =	simm.s32 @!p1 $0xE400  }
0x64: {  	[hbm4b:s1+s0] =	stream.linear.scatter @!p1 [tilespmem:s8], [sflag:$0xD], $0x2000, $0x38;
	[tilespmem:$0x16F68] =	vst v63  }
0x65: {  	s0 =	simm.s32 @!p1 $0x6  }
0x66: {  	_ =	swait.ge @!p1 [sflag:s0], $0x2000  }
0x67: {  	[sflag:s0] =	ssyncset.done @!p1 $0x0  }
0x68: {  	s1 =	simm.s32 @!p1 $0xC;
	[sflag:s0] =	ssyncadd.s32 @!p1 $0xFFFFE000  }
0x69: {  	_ =	swait.ge @!p1 [sflag:s1], $0x2000  }
0x6a: {  	[sflag:s1] =	ssyncset.done @!p1 $0x0  }
0x6b: {  	s0 =	simm.s32 @!p1 $0x2C0;
	[sflag:s1] =	ssyncadd.s32 @!p1 $0xFFFFE000;
	s1 =	simm.s32 @!p1 $0xC400  }
0x6c: {  	[tilespmem:s1], [sflag:$0x4] =	stream.indirect.gather @!p1 [spmem:s3], $0x80, s0, s6, $0xb8;
	[tilespmem:$0x16F68] =	vst v63  }
0x6d: {  	s19 =	sadd.s32 $0x1400, s15  }
0x6e: {  	[hbm4b:s19+s4] =	stream.linear.scatter [tilespmem:s20], [sflag:$0xE], $0x2000, $0x38;
	[tilespmem:$0x16F68] =	vst v63  }
0x6f: {  	_ =	swait.ge [sflag:s28], $0x2000  }
0x70: {  	[sflag:s28] =	ssyncset.done $0x0  }
0x71: {  	s0 =	simm.s32 @!p1 $0xD;
	[sflag:s28] =	ssyncadd.s32 $0xFFFFE000  }
0x72: {  	_ =	swait.ge @!p1 [sflag:s0], $0x2000  }
0x73: {  	[sflag:s0] =	ssyncset.done @!p1 $0x0  }
0x74: {  	s30 =	rddreg [dreg:$0x9];
	[sflag:s0] =	ssyncadd.s32 @!p1 $0xFFFFE000;
	s0 =	simm.s32 @!p1 $0x300  }
0x75: {  	[tilespmem:s8], [sflag:$0x5] =	stream.indirect.gather @!p1 [spmem:s3], $0x80, s0, s6, $0xb8;
	[tilespmem:$0x16F68] =	vst v63  }
0x76: {  	s31 =	sadd.s32 s5, s30  }
0x77: {  	[hbm4b:s31+s4] =	stream.linear.scatter [tilespmem:s22], [sflag:$0xF], $0x2000, $0x38;
	[tilespmem:$0x16F68] =	vst v63  }
0x78: {  	_ =	swait.ge [sflag:s29], $0x2000  }
0x79: {  	[sflag:s29] =	ssyncset.done $0x0  }
0x7a: {  	s0 =	simm.s32 @!p1 $0xE;
	[sflag:s29] =	ssyncadd.s32 $0xFFFFE000  }
0x7b: {  	_ =	swait.ge @!p1 [sflag:s0], $0x2000  }
0x7c: {  	[sflag:s0] =	ssyncset.done @!p1 $0x0  }
0x7d: {  	s1 =	simm.s32 @!p1 $0x340;
	[sflag:s0] =	ssyncadd.s32 @!p1 $0xFFFFE000;
	s0 =	simm.s32 @!p1 $0x10400  }
0x7e: {  	[tilespmem:s0], [sflag:$0x6] =	stream.indirect.gather @!p1 [spmem:s3], $0x80, s1, s6, $0xb8;
	[tilespmem:$0x16F68] =	vst v63  }
0x7f: {  	s2 =	smov.u32 s5;
	s19 =	simm.s32 $0x800;
	s0 =	rddreg [dreg:$0x8]  }
.LBB2_2:
0x80: {  	s0 =	sadd.s32 s2, s0  }
0x81: {  	[hbm4b:s0+s4] =	stream.linear.scatter [tilespmem:s24], [sflag:$0x10], $0x2000, $0x38;
	[tilespmem:$0x16F68] =	vst v63  }
0x82: {  	s1 =	smov.u32 s19;
	_ =	swait.ge [sflag:s21], $0x2000  }
0x83: {  	p2 =	seq.s32 s1, $0x0;
	[sflag:s21] =	ssyncset.done $0x0  }
0x84: {  	s0 =	simm.s32 @!p2 $0xF;
	[sflag:s21] =	ssyncadd.s32 $0xFFFFE000  }
0x85: {  	_ =	swait.ge @!p2 [sflag:s0], $0x2000  }
0x86: {  	s2 =	sadd.s32 $0x2000, s2;
	s6 =	sshra.s32 s1, $0x2;
	[sflag:s0] =	ssyncset.done @!p2 $0x0  }
0x87: {  	s8 =	sadd.s32 $0x180, s6;
	s9 =	rddreg [dreg:$0x7];
	[sflag:s0] =	ssyncadd.s32 @!p2 $0xFFFFE000  }
0x88: {  	[tilespmem:s22], [sflag:$0x7] =	stream.indirect.gather [spmem:s3], $0x80, s8, s10, $0xb8;
	[tilespmem:$0x16F68] =	vst v63  }
0x89: {  	s14 =	sadd.s32 s2, s9  }
0x8a: {  	[hbm4b:s14+s4] =	stream.linear.scatter [tilespmem:s11], [sflag:$0x9], $0x2000, $0x38;
	[tilespmem:$0x16F68] =	vst v63  }
0x8b: {  	_ =	swait.ge [sflag:s23], $0x2000  }
0x8c: {  	[sflag:s23] =	ssyncset.done $0x0  }
0x8d: {  	s0 =	simm.s32 @!p2 $0x10;
	[sflag:s23] =	ssyncadd.s32 $0xFFFFE000  }
0x8e: {  	_ =	swait.ge @!p2 [sflag:s0], $0x2000  }
0x8f: {  	[sflag:s0] =	ssyncset.done @!p2 $0x0  }
0x90: {  	s15 =	sadd.s32 $0x1C0, s6;
	s6 =	sadd.s32 s2, s7;
	[sflag:s0] =	ssyncadd.s32 @!p2 $0xFFFFE000  }
0x91: {  	[tilespmem:s24], [sflag:$0x8] =	stream.indirect.gather [spmem:s3], $0x80, s15, s10, $0xb8;
	[tilespmem:$0x16F68] =	vst v63  }
0x92: {  	s17 =	sadd.s32 $0x400, s6  }
0x93: {  	[hbm4b:s17+s4] =	stream.linear.scatter [tilespmem:s12], [sflag:$0xA], $0x2000, $0x38;
	[tilespmem:$0x16F68] =	vst v63  }
0x94: {  	p2 =	seq.s32 s1, $0x18800;
	_ =	swait.ge [sflag:s25], $0x2000  }
0x95: {  	s0 =	simm.s32 @p2 $0x0;
	s9 =	simm.s32 @p2 $0xA400;
	[sflag:s25] =	ssyncset.done $0x0  }
0x96: {  	s13 =	simm.s32 @p2 $0x4;
	s8 =	rddreg [dreg:$0x5];
	[sflag:s25] =	ssyncadd.s32 $0xFFFFE000  }
0x97: {  	[hbm4b:s8+s0] =	stream.linear.scatter @p2 [tilespmem:s9], [sflag:$0xB], $0x2000, $0x38;
	[tilespmem:$0x16F68] =	vst v63  }
0x98: {  	_ =	swait.ge @p2 [sflag:s13], $0x2000  }
0x99: {  	[sflag:s13] =	ssyncset.done @p2 $0x0  }
0x9a: {  	s17 =	simm.s32 @!p2 $0x9;
	[sflag:s13] =	ssyncadd.s32 @p2 $0xFFFFE000  }
0x9b: {  	s14 =	sshra.s32 @!p2 s1, $0x2;
	s1 =	sadd.s32 @!p2 s2, s7;
	_ =	swait.ge @!p2 [sflag:s17], $0x2000  }
0x9c: {  	s18 =	simm.s32 @!p2 $0x6400;
	s11 =	simm.s32 @!p2 $0xA400;
	[sflag:s17] =	ssyncset.done @!p2 $0x0  }
0x9d: {  	s9 =	sadd.s32 @!p2 $0x200, s14;
	s8 =	simm.s32 @!p2 $0x40;
	[sflag:s17] =	ssyncadd.s32 @!p2 $0xFFFFE000  }
0x9e: {  	[tilespmem:s18], [sflag:$0x1] =	stream.indirect.gather @!p2 [spmem:s3], $0x80, s9, s8, $0xb8;
	[tilespmem:$0x16F68] =	vst v63  }
0x9f: {  	s15 =	sadd.s32 @!p2 $0x800, s1;
	s17 =	simm.s32 @!p2 $0x0;
	s18 =	simm.s32 @!p2 $0x4  }
0xa0: {  	[hbm4b:s15+s17] =	stream.linear.scatter @!p2 [tilespmem:s11], [sflag:$0xB], $0x2000, $0x38;
	[tilespmem:$0x16F68] =	vst v63  }
0xa1: {  	s5 =	sadd.s32 @!p2 $0x240, s14;
	s31 =	sadd.s32 @!p2 $0x2C0, s14;
	_ =	swait.ge @!p2 [sflag:s18], $0x2000  }
0xa2: {  	s30 =	sadd.s32 @!p2 $0x300, s14;
	s13 =	sadd.s32 @!p2 $0x280, s14;
	[sflag:s18] =	ssyncset.done @!p2 $0x0  }
0xa3: {  	s9 =	sadd.s32 @!p2 $0x340, s14;
	s14 =	simm.s32 @!p2 $0xA;
	[sflag:s18] =	ssyncadd.s32 @!p2 $0xFFFFE000  }
0xa4: {  	_ =	swait.ge @!p2 [sflag:s14], $0x2000  }
0xa5: {  	[sflag:s14] =	ssyncset.done @!p2 $0x0  }
0xa6: {  	s15 =	simm.s32 @!p2 $0x8400;
	[sflag:s14] =	ssyncadd.s32 @!p2 $0xFFFFE000  }
0xa7: {  	[tilespmem:s15], [sflag:$0x2] =	stream.indirect.gather @!p2 [spmem:s3], $0x80, s5, s8, $0xb8;
	[tilespmem:$0x16F68] =	vst v63  }
0xa8: {  	s18 =	sadd.s32 $0xC00, s6  }
0xa9: {  	[hbm4b:s18+s4] =	stream.linear.scatter [tilespmem:s16], [sflag:$0xC], $0x2000, $0x38;
	[tilespmem:$0x16F68] =	vst v63  }
0xaa: {  	_ =	swait.ge [sflag:s26], $0x2000  }
0xab: {  	s14 =	simm.s32 @p2 $0xE400;
	[sflag:s26] =	ssyncset.done $0x0  }
0xac: {  	s15 =	simm.s32 @p2 $0x6;
	s5 =	rddreg [dreg:$0x6];
	[sflag:s26] =	ssyncadd.s32 $0xFFFFE000  }
0xad: {  	[hbm4b:s5+s0] =	stream.linear.scatter @p2 [tilespmem:s14], [sflag:$0xD], $0x2000, $0x38;
	[tilespmem:$0x16F68] =	vst v63  }
0xae: {  	_ =	swait.ge @p2 [sflag:s15], $0x2000  }
0xaf: {  	[sflag:s15] =	ssyncset.done @p2 $0x0  }
0xb0: {  	s0 =	simm.s32 @!p2 $0xB;
	[sflag:s15] =	ssyncadd.s32 @p2 $0xFFFFE000  }
0xb1: {  	_ =	swait.ge @!p2 [sflag:s0], $0x2000  }
0xb2: {  	[sflag:s0] =	ssyncset.done @!p2 $0x0  }
0xb3: {  	[sflag:s0] =	ssyncadd.s32 @!p2 $0xFFFFE000  }
0xb4: {  	[tilespmem:s11], [sflag:$0x3] =	stream.indirect.gather @!p2 [spmem:s3], $0x80, s13, s8, $0xb8;
	[tilespmem:$0x16F68] =	vst v63  }
0xb5: {  	s1 =	sadd.s32 @!p2 $0x1000, s1;
	s5 =	simm.s32 @!p2 $0x6;
	s0 =	simm.s32 @!p2 $0xE400  }
0xb6: {  	[hbm4b:s1+s17] =	stream.linear.scatter @!p2 [tilespmem:s0], [sflag:$0xD], $0x2000, $0x38;
	[tilespmem:$0x16F68] =	vst v63  }
0xb7: {  	_ =	swait.ge @!p2 [sflag:s5], $0x2000  }
0xb8: {  	[sflag:s5] =	ssyncset.done @!p2 $0x0  }
0xb9: {  	s1 =	simm.s32 @!p2 $0xC;
	[sflag:s5] =	ssyncadd.s32 @!p2 $0xFFFFE000  }
0xba: {  	_ =	swait.ge @!p2 [sflag:s1], $0x2000  }
0xbb: {  	[sflag:s1] =	ssyncset.done @!p2 $0x0  }
0xbc: {  	s5 =	simm.s32 @!p2 $0xC400;
	[sflag:s1] =	ssyncadd.s32 @!p2 $0xFFFFE000  }
0xbd: {  	[tilespmem:s5], [sflag:$0x4] =	stream.indirect.gather @!p2 [spmem:s3], $0x80, s31, s8, $0xb8;
	[tilespmem:$0x16F68] =	vst v63  }
0xbe: {  	s17 =	sadd.s32 $0x1400, s6  }
0xbf: {  	[hbm4b:s17+s4] =	stream.linear.scatter [tilespmem:s20], [sflag:$0xE], $0x2000, $0x38;
	[tilespmem:$0x16F68] =	vst v63  }
0xc0: {  	_ =	swait.ge [sflag:s28], $0x2000  }
0xc1: {  	[sflag:s28] =	ssyncset.done $0x0  }
0xc2: {  	s1 =	simm.s32 @!p2 $0xD;
	[sflag:s28] =	ssyncadd.s32 $0xFFFFE000  }
0xc3: {  	_ =	swait.ge @!p2 [sflag:s1], $0x2000  }
0xc4: {  	[sflag:s1] =	ssyncset.done @!p2 $0x0  }
0xc5: {  	s18 =	rddreg [dreg:$0x9];
	[sflag:s1] =	ssyncadd.s32 @!p2 $0xFFFFE000  }
0xc6: {  	[tilespmem:s0], [sflag:$0x5] =	stream.indirect.gather @!p2 [spmem:s3], $0x80, s30, s8, $0xb8;
	[tilespmem:$0x16F68] =	vst v63  }
0xc7: {  	s31 =	sadd.s32 s2, s18  }
0xc8: {  	[hbm4b:s31+s4] =	stream.linear.scatter [tilespmem:s22], [sflag:$0xF], $0x2000, $0x38;
	[tilespmem:$0x16F68] =	vst v63  }
0xc9: {  	s19 =	sadd.s32 $0x800, s19;
	_ =	swait.ge [sflag:s29], $0x2000  }
0xca: {  	p1 =	sne.s32 s19, $0x19000;
	[sflag:s29] =	ssyncset.done $0x0  }
.Ltmp0:
0xcb: {  	s1 =	simm.s32 @!p2 $0xE;
	[sflag:s29] =	ssyncadd.s32 $0xFFFFE000;
	(pc) =	sbr.rel @p1 .LBB2_2-.Ltmp0, $4  }
0xcc: {  	_ =	swait.ge @!p2 [sflag:s1], $0x2000  }
0xcd: {  	s11 =	simm.s32 $0x6400;
	[sflag:s1] =	ssyncset.done @!p2 $0x0  }
0xce: {  	s5 =	simm.s32 @!p2 $0x10400;
	s0 =	rddreg [dreg:$0x8];
	[sflag:s1] =	ssyncadd.s32 @!p2 $0xFFFFE000  }
0xcf: {  	[tilespmem:s5], [sflag:$0x6] =	stream.indirect.gather @!p2 [spmem:s3], $0x80, s9, s8, $0xb8;
	[tilespmem:$0x16F68] =	vst v63  }
0xd0: {  	s0 =	sadd.s32 s2, s0;
	s9 =	simm.s32 $0x9  }
0xd1: {  	[hbm4b:s0+s4] =	stream.linear.scatter [tilespmem:s24], [sflag:$0x10], $0x2000, $0x38;
	[tilespmem:$0x16F68] =	vst v63  }
0xd2: {  	_ =	swait.ge [sflag:s9], $0x2000  }
0xd3: {  	[sflag:s9] =	ssyncset.done $0x0  }
0xd4: {  	s13 =	simm.s32 $0xA;
	[sflag:s9] =	ssyncadd.s32 $0xFFFFE000  }
0xd5: {  	_ =	swait.ge [sflag:s13], $0x2000  }
0xd6: {  	[sflag:s13] =	ssyncset.done $0x0  }
0xd7: {  	s14 =	simm.s32 $0xB;
	[sflag:s13] =	ssyncadd.s32 $0xFFFFE000  }
0xd8: {  	_ =	swait.ge [sflag:s14], $0x2000  }
0xd9: {  	[sflag:s14] =	ssyncset.done $0x0  }
0xda: {  	s15 =	simm.s32 $0xC;
	[sflag:s14] =	ssyncadd.s32 $0xFFFFE000  }
0xdb: {  	_ =	swait.ge [sflag:s15], $0x2000  }
0xdc: {  	[sflag:s15] =	ssyncset.done $0x0  }
0xdd: {  	s17 =	simm.s32 $0xD;
	[sflag:s15] =	ssyncadd.s32 $0xFFFFE000  }
0xde: {  	_ =	swait.ge [sflag:s17], $0x2000  }
0xdf: {  	[sflag:s17] =	ssyncset.done $0x0  }
0xe0: {  	s18 =	simm.s32 $0xE;
	[sflag:s17] =	ssyncadd.s32 $0xFFFFE000  }
0xe1: {  	_ =	swait.ge [sflag:s18], $0x2000  }
0xe2: {  	[sflag:s18] =	ssyncset.done $0x0  }
0xe3: {  	s19 =	simm.s32 $0xF;
	[sflag:s18] =	ssyncadd.s32 $0xFFFFE000  }
0xe4: {  	_ =	swait.ge [sflag:s19], $0x2000  }
0xe5: {  	[sflag:s19] =	ssyncset.done $0x0  }
0xe6: {  	s1 =	simm.s32 $0x10;
	[sflag:s19] =	ssyncadd.s32 $0xFFFFE000  }
0xe7: {  	_ =	swait.ge [sflag:s1], $0x2000  }
0xe8: {  	s30 =	rddreg [dreg:$0xd]  }
0xe9: {  	s31 =	rddreg [dreg:$0xb];
	s2 =	sadd.s32 $0x1, s30  }
0xea: {  	p1 =	sne.s32 s2, s31  }
.Ltmp1:
0xeb: {  	_ = 	snop;
	(pc) =	sbr.rel @p1 .LBB2_1-.Ltmp1, $3  }
0xec: {  	_ =	sdelay $0x1  }
0xed: {  	[sflag:s1] =	ssyncset.done $0x0  }
0xee: {  	[sflag:s1] =	ssyncadd.s32 $0xFFFFE000  }
0xef: {  	_ =	sfence.sel $0x180000  }
0xf0: {  	[bflag:$0x0] =	sbarrier.arrive $0xFFFF  }
0xf1: {  	_ =	strace $0x90000047  }
0xf2: {  	[bflag:$0x2] =	sbarrier.arrive $0xFFFF  }
0xf3: {  	s0 =	rddreg [dreg:$0x4]  }
0xf4: {  	s0 =	sadd.s32 @!p0 $0x100000, s0  }
0xf5: {  	[sflag:s0] =	ssyncadd.tile.s32 @!p0 $0x1;
	_ =	shalt  }
.Lfunc_end2:
_tile_overlayer_lowered:
.L_overlay_start_2:
0xf6: {  	(tag) =	ssettag $0x2  }
0xf7: {  	s0 =	rddreg [dreg:$0x0];
	s2 =	stileid.u32  }
0xf8: {  	s1 =	rddreg [dreg:$0x1];
	p0 =	sne.s32 s2, $0x0  }
0xf9: {  	s3 =	rddreg [dreg:$0x2];
	[bflag:$0x3] =	sbarrier.arrive $0xFFFF;
	s2 =	simm.s32 @!p0 $0x1C11  }
0xfa: {  	[timem:s3], [sflag:s2] =	dma.local @!p0 [hbm:s0], s1  }
0xfb: {  	s0 =	simm.s32 @!p0 $0x11  }
0xfc: {  	_ =	swait.ge @!p0 [sflag:s0], s1  }
0xfd: {  	s1 =	ssub.s32 @!p0 $0x0, s1;
	[sflag:s0] =	ssyncset.done @!p0 $0x0  }
0xfe: {  	[sflag:s0] =	ssyncadd.s32 @!p0 s1  }
0xff: {  	[bflag:$0x3] =	sbarrier.arrive $0xFFFF  }
0x100: {  	_ =	shalt  }

</sc_bundles>
